<compile_context>
chip_gen: v7x
topology: tpu7x:2x2x1
jax: 0.10.2.dev20260603
libtpu: 0.0.44.dev20260713+nightly
codegen_flags: <defaults>
</compile_context>

<pallas_src>
import functools

import jax
import jax.numpy as jnp
from jax import lax
from jax.experimental import pallas as pl
from jax.experimental.pallas import tpu as pltpu
from jax.experimental.pallas import tpu_sc as plsc

REL_NUM = 256
CLUSTER = 64
DIM = 64
BATCH = 16384

NUM_CORES = 2
NUM_SUBCORES = 16
NUM_WORKERS = NUM_CORES * NUM_SUBCORES
ROWS_PER_W = BATCH // NUM_WORKERS
CHUNK = 128
NCHUNK = ROWS_PER_W // CHUNK
XCOLS = DIM
XROWS_PER_W = ROWS_PER_W
UNROLL = 8

_PERM = [b + (j % 2) * 16 + j // 2 for b in (0, 32) for j in range(32)]


def _expand_bf16(pair_i32):
    lo = plsc.bitcast(lax.shift_left(pair_i32, 16), jnp.float32)
    hi = plsc.bitcast(jnp.bitwise_and(pair_i32, jnp.int32(-65536)),
                      jnp.float32)
    return lo, hi


def _sc_body(x_hbm, rel_hbm, map_hbm, clu_hbm, rele_hbm, out_hbm,
             x_v, rrows_v, crows_v, idx_v, cidx_v, map_v, out_v, sem, gsem):
    wid = lax.axis_index("s") * NUM_CORES + lax.axis_index("c")
    base = wid * ROWS_PER_W

    xh = XROWS_PER_W // 2
    x_copies = [
        pltpu.async_copy(x_hbm.at[pl.ds(wid * XROWS_PER_W + h * xh, xh)],
                         x_v.at[pl.ds(h * xh, xh)], sem)
        for h in range(2)
    ]
    pltpu.sync_copy(rel_hbm.at[pl.ds(wid * NCHUNK, NCHUNK)], idx_v)
    pltpu.sync_copy(map_hbm, map_v)

    rel_copies = [
        pltpu.async_copy(rele_hbm.at[idx_v.at[j]],
                         rrows_v.at[pl.ds(j * CHUNK, CHUNK)], gsem)
        for j in range(NCHUNK)
    ]

    for j in range(NCHUNK):
        for t in range(CHUNK // 16):
            r16 = idx_v[j, pl.ds(t * 16, 16)]
            cidx_v[j, pl.ds(t * 16, 16)] = plsc.load_gather(map_v, [r16])

    clu_copies = [
        pltpu.async_copy(clu_hbm.at[cidx_v.at[j]],
                         crows_v.at[pl.ds(j * CHUNK, CHUNK)], gsem)
        for j in range(NCHUNK)
    ]
    for c in rel_copies + clu_copies:
        c.wait()

    iota16 = lax.iota(jnp.int32, 16)
    lane15 = iota16 == 15

    def row(i):
        acc0 = jnp.zeros((16,), jnp.float32)
        acc1 = jnp.zeros((16,), jnp.float32)
        for k in (0, 32):
            s32 = (rrows_v[i, pl.ds(k, 32)] + crows_v[i, pl.ds(k, 32)])
            lo, hi = _expand_bf16(plsc.bitcast(s32, jnp.int32))
            acc0 = acc0 + lo * x_v[i, pl.ds(k, 16)]
            acc1 = acc1 + hi * x_v[i, pl.ds(k + 16, 16)]
        tot = plsc.cumsum(acc0 + acc1)
        plsc.store_scatter(out_v, [jnp.full((16,), i, jnp.int32)], tot,
                           mask=lane15)

    half_rows = ROWS_PER_W // 2
    x_copies[0].wait()
    plsc.parallel_loop(0, half_rows, unroll=UNROLL)(row)
    x_copies[1].wait()
    plsc.parallel_loop(half_rows, ROWS_PER_W, unroll=UNROLL)(row)
    pltpu.sync_copy(out_v, out_hbm.at[pl.ds(base, ROWS_PER_W)])


def kernel(input_embedding, rel, relToCluIdx, rl_clu_embed, rl_rel_embed):
    x2 = input_embedding
    rel2 = rel.reshape(BATCH // CHUNK, CHUNK)
    def permute(t):
        r = t.shape[0]
        return (t.reshape(r, 2, 2, 16).swapaxes(2, 3)
                .reshape(r, DIM).astype(jnp.bfloat16))

    clu_p = permute(rl_clu_embed)
    rele_p = permute(rl_rel_embed)

    mesh = plsc.VectorSubcoreMesh(core_axis_name="c", subcore_axis_name="s")
    run = functools.partial(
        pl.kernel,
        out_type=jax.ShapeDtypeStruct((BATCH,), jnp.float32),
        mesh=mesh,
        scratch_types=[
            pltpu.VMEM((XROWS_PER_W, XCOLS), jnp.float32),
            pltpu.VMEM((ROWS_PER_W, DIM), jnp.bfloat16),
            pltpu.VMEM((ROWS_PER_W, DIM), jnp.bfloat16),
            pltpu.VMEM((NCHUNK, CHUNK), jnp.int32),
            pltpu.VMEM((NCHUNK, CHUNK), jnp.int32),
            pltpu.VMEM((REL_NUM,), jnp.int32),
            pltpu.VMEM((ROWS_PER_W,), jnp.float32),
            pltpu.SemaphoreType.DMA,
            pltpu.SemaphoreType.DMA,
        ],
        compiler_params=pltpu.CompilerParams(needs_layout_passes=False,
                                             use_tc_tiling_on_sc=False),
    )(_sc_body)
    return run(x2, rel2, relToCluIdx, clu_p, rele_p)

# --- scband reference (transcript-rebuilt; emitter-appended) ---
"""Pipeline reference for scband-reinforcement-module-34239479284375 (READ-ONLY COPY).

The authoritative reference and input builder live on the scoring server;
editing this copy changes nothing except your own understanding.
"""

import jax, jax.numpy as jnp
import numpy as np

REL_NUM = 256
CLUSTER = 64
DIM = 64
BATCH = 16384


def setup_inputs(seed: int = 0) -> dict:
    key = jax.random.key(seed)
    k1, k2, k3, k4 = jax.random.split(key, 4)
    input_embedding = jax.random.normal(k1, (BATCH, DIM), dtype=jnp.float32)
    rel = jax.random.randint(k2, (BATCH,), 0, REL_NUM, dtype=jnp.int32)
    relToCluIdx = (jnp.arange(REL_NUM, dtype=jnp.int32) % CLUSTER).astype(jnp.int32)
    rl_clu_embed = jax.random.normal(k3, (CLUSTER, DIM), dtype=jnp.float32)
    rl_rel_embed = jax.random.normal(k4, (REL_NUM, DIM), dtype=jnp.float32)
    return {
        "input_embedding": input_embedding,
        "rel": rel,
        "relToCluIdx": relToCluIdx,
        "rl_clu_embed": rl_clu_embed,
        "rl_rel_embed": rl_rel_embed,
    }


def reference(input_embedding, rel, relToCluIdx, rl_clu_embed, rl_rel_embed):
    # x = (rl_clu_embed(relToCluIdx[rel]) + rl_rel_embed(rel)) * input_embedding
    clu_idx = jnp.take(relToCluIdx, rel, axis=0)
    clu_vec = jnp.take(rl_clu_embed, clu_idx, axis=0)
    rel_vec = jnp.take(rl_rel_embed, rel, axis=0)
    x = (clu_vec + rel_vec) * input_embedding
    return jnp.sum(x, axis=-1)

if __name__ == "__main__":
    import jax
    _d = setup_inputs()
    print(jax.jit(kernel)(*tuple(_d.values())))

</pallas_src>

<mosaic_0001>
#map = affine_map<(d0, d1) -> (0, 0)>
#map1 = affine_map<(d0, d1) -> (0)>
module attributes {stable_mosaic.version = 14 : i64} {
  func.func @_sc_body(%arg0: i32, %arg1: i32, %arg2: memref<16384x64xf32, #tpu.memory_space<hbm>>, %arg3: memref<128x128xi32, #tpu.memory_space<hbm>>, %arg4: memref<256xi32, #tpu.memory_space<hbm>>, %arg5: memref<64x64xbf16, #tpu.memory_space<hbm>>, %arg6: memref<256x64xbf16, #tpu.memory_space<hbm>>, %arg7: memref<16384xf32, #tpu.memory_space<hbm>>, %arg8: memref<512x64xf32, #tpu.memory_space<vmem>>, %arg9: memref<512x64xbf16, #tpu.memory_space<vmem>>, %arg10: memref<512x64xbf16, #tpu.memory_space<vmem>>, %arg11: memref<4x128xi32, #tpu.memory_space<vmem>>, %arg12: memref<4x128xi32, #tpu.memory_space<vmem>>, %arg13: memref<256xi32, #tpu.memory_space<vmem>>, %arg14: memref<512xf32, #tpu.memory_space<vmem>>, %arg15: memref<!tpu.dma_semaphore, #tpu.memory_space<semaphore_mem>>, %arg16: memref<!tpu.dma_semaphore, #tpu.memory_space<semaphore_mem>>) attributes {dimension_semantics = [#tpu.dimension_semantics<core_parallel>, #tpu.dimension_semantics<subcore_parallel>], iteration_bounds = array<i64: 2, 16>, scalar_prefetch = 0 : i64, scratch_operands = 9 : i64, tpu.core_type = #tpu.core_type<sc_vector_subcore>, window_params = [{transform_indices = #map}, {transform_indices = #map}, {transform_indices = #map1}, {transform_indices = #map}, {transform_indices = #map}, {transform_indices = #map1}]} {
    %mul3A = arith.constant 2 : i32
    %mul3A_0 = arith.muli %arg1, %mul3A : i32
    %add3A = arith.addi %mul3A_0, %arg0 : i32
    %mul3A_1 = arith.constant 512 : i32
    %mul3A_2 = arith.muli %add3A, %mul3A_1 : i32
    %mul3A_3 = arith.constant 512 : i32
    %mul3A_4 = arith.muli %add3A, %mul3A_3 : i32
    %add3A_5 = arith.constant 0 : i32
    %add3A_6 = arith.addi %mul3A_4, %add3A_5 : i32
    %dma_start3A = arith.constant 0 : i32
    %dma_start3A_7 = arith.constant 0 : i32
    %dma_start3A_8 = tpu.memref_slice %arg8[%dma_start3A, %dma_start3A_7] : memref<512x64xf32, #tpu.memory_space<vmem>> -> memref<256x64xf32, #tpu.memory_space<vmem>>
    %dma_start3A_9 = arith.constant 0 : i32
    %dma_start3A_10 = tpu.memref_slice %arg2[%add3A_6, %dma_start3A_9] : memref<16384x64xf32, #tpu.memory_space<hbm>> -> memref<256x64xf32, #tpu.memory_space<hbm>>
    %dma_start3A_11 = arith.constant 0 : i32
    %dma_start3A_12 = arith.constant 0 : i32
    %dma_start3A_13 = tpu.memref_slice %arg8[%dma_start3A_11, %dma_start3A_12] : memref<512x64xf32, #tpu.memory_space<vmem>> -> memref<256x64xf32, #tpu.memory_space<vmem>>
    %dma_start3A_14 = arith.constant 0 : i32
    %dma_start3A_15 = tpu.memref_slice %arg2[%add3A_6, %dma_start3A_14] : memref<16384x64xf32, #tpu.memory_space<hbm>> -> memref<256x64xf32, #tpu.memory_space<hbm>>
    tpu.enqueue_dma source(%dma_start3A_15 : memref<256x64xf32, #tpu.memory_space<hbm>>) target(%dma_start3A_13 : memref<256x64xf32, #tpu.memory_space<vmem>>) target_semaphore(%arg15 : memref<!tpu.dma_semaphore, #tpu.memory_space<semaphore_mem>>)
    %mul3A_16 = arith.constant 512 : i32
    %mul3A_17 = arith.muli %add3A, %mul3A_16 : i32
    %add3A_18 = arith.constant 256 : i32
    %add3A_19 = arith.addi %mul3A_17, %add3A_18 : i32
    %dma_start3A_20 = arith.constant 256 : i32
    %dma_start3A_21 = arith.constant 0 : i32
    %dma_start3A_22 = tpu.memref_slice %arg8[%dma_start3A_20, %dma_start3A_21] : memref<512x64xf32, #tpu.memory_space<vmem>> -> memref<256x64xf32, #tpu.memory_space<vmem>>
    %dma_start3A_23 = arith.constant 0 : i32
    %dma_start3A_24 = tpu.memref_slice %arg2[%add3A_19, %dma_start3A_23] : memref<16384x64xf32, #tpu.memory_space<hbm>> -> memref<256x64xf32, #tpu.memory_space<hbm>>
    %dma_start3A_25 = arith.constant 256 : i32
    %dma_start3A_26 = arith.constant 0 : i32
    %dma_start3A_27 = tpu.memref_slice %arg8[%dma_start3A_25, %dma_start3A_26] : memref<512x64xf32, #tpu.memory_space<vmem>> -> memref<256x64xf32, #tpu.memory_space<vmem>>
    %dma_start3A_28 = arith.constant 0 : i32
    %dma_start3A_29 = tpu.memref_slice %arg2[%add3A_19, %dma_start3A_28] : memref<16384x64xf32, #tpu.memory_space<hbm>> -> memref<256x64xf32, #tpu.memory_space<hbm>>
    tpu.enqueue_dma source(%dma_start3A_29 : memref<256x64xf32, #tpu.memory_space<hbm>>) target(%dma_start3A_27 : memref<256x64xf32, #tpu.memory_space<vmem>>) target_semaphore(%arg15 : memref<!tpu.dma_semaphore, #tpu.memory_space<semaphore_mem>>)
    %mul3A_30 = arith.constant 4 : i32
    %mul3A_31 = arith.muli %add3A, %mul3A_30 : i32
    "tpu.region"() ({
      %run_scoped3A = tpu.sem_alloc : memref<!tpu.dma_semaphore, #tpu.memory_space<semaphore_mem>>
      %dma_start3A_503 = arith.constant 0 : i32
      %dma_start3A_504 = tpu.memref_slice %arg3[%mul3A_31, %dma_start3A_503] : memref<128x128xi32, #tpu.memory_space<hbm>> -> memref<4x128xi32, #tpu.memory_space<hbm>>
      %dma_start3A_505 = arith.constant 0 : i32
      %dma_start3A_506 = tpu.memref_slice %arg3[%mul3A_31, %dma_start3A_505] : memref<128x128xi32, #tpu.memory_space<hbm>> -> memref<4x128xi32, #tpu.memory_space<hbm>>
      tpu.enqueue_dma source(%dma_start3A_506 : memref<4x128xi32, #tpu.memory_space<hbm>>) target(%arg11 : memref<4x128xi32, #tpu.memory_space<vmem>>) target_semaphore(%run_scoped3A : memref<!tpu.dma_semaphore, #tpu.memory_space<semaphore_mem>>)
      %dma_wait3A_507 = arith.constant 0 : i32
      %dma_wait3A_508 = tpu.memref_slice %arg3[%mul3A_31, %dma_wait3A_507] : memref<128x128xi32, #tpu.memory_space<hbm>> -> memref<4x128xi32, #tpu.memory_space<hbm>>
      %dma_wait3A_509 = arith.constant 0 : i32
      %dma_wait3A_510 = tpu.memref_slice %arg3[%mul3A_31, %dma_wait3A_509] : memref<128x128xi32, #tpu.memory_space<hbm>> -> memref<4x128xi32, #tpu.memory_space<hbm>>
      tpu.wait_dma2 semaphore(%run_scoped3A : memref<!tpu.dma_semaphore, #tpu.memory_space<semaphore_mem>>) src(%dma_wait3A_510 : memref<4x128xi32, #tpu.memory_space<hbm>>) dst(%arg11 : memref<4x128xi32, #tpu.memory_space<vmem>>)
      tpu.yield
    }) : () -> ()
    "tpu.region"() ({
      %run_scoped3A = tpu.sem_alloc : memref<!tpu.dma_semaphore, #tpu.memory_space<semaphore_mem>>
      tpu.enqueue_dma source(%arg4 : memref<256xi32, #tpu.memory_space<hbm>>) target(%arg13 : memref<256xi32, #tpu.memory_space<vmem>>) target_semaphore(%run_scoped3A : memref<!tpu.dma_semaphore, #tpu.memory_space<semaphore_mem>>)
      tpu.wait_dma2 semaphore(%run_scoped3A : memref<!tpu.dma_semaphore, #tpu.memory_space<semaphore_mem>>) src(%arg4 : memref<256xi32, #tpu.memory_space<hbm>>) dst(%arg13 : memref<256xi32, #tpu.memory_space<vmem>>)
      tpu.yield
    }) : () -> ()
    %dma_start3A_32 = arith.constant 0 : i32
    %dma_start3A_33 = arith.constant 0 : i32
    %dma_start3A_34 = arith.constant 0 : i32
    %dma_start3A_35 = tpu.memref_slice %arg9[%dma_start3A_33, %dma_start3A_34] : memref<512x64xbf16, #tpu.memory_space<vmem>> -> memref<128x64xbf16, #tpu.memory_space<vmem>>
    %dma_start3A_36 = arith.constant 0 : i32
    %dma_start3A_37 = tpu.memref_slice %arg11[%dma_start3A_32, %dma_start3A_36] : memref<4x128xi32, #tpu.memory_space<vmem>> -> memref<1x128xi32, #tpu.memory_space<vmem>>
    %dma_start3A_38 = tpu.memref_squeeze %dma_start3A_37 : memref<1x128xi32, #tpu.memory_space<vmem>> -> memref<128xi32, #tpu.memory_space<vmem>>
    %dma_start3A_39 = arith.constant 0 : i32
    %dma_start3A_40 = arith.constant 0 : i32
    %dma_start3A_41 = tpu.memref_slice %arg6[%dma_start3A_39, %dma_start3A_40] : memref<256x64xbf16, #tpu.memory_space<hbm>> -> memref<256x64xbf16, #tpu.memory_space<hbm>>
    tpu.enqueue_indirect_dma source(%dma_start3A_41 : memref<256x64xbf16, #tpu.memory_space<hbm>>) target(%dma_start3A_35 : memref<128x64xbf16, #tpu.memory_space<vmem>>) offsets(%dma_start3A_38 : memref<128xi32, #tpu.memory_space<vmem>>) semaphore(%arg16 : memref<!tpu.dma_semaphore, #tpu.memory_space<semaphore_mem>>)
    %dma_start3A_42 = arith.constant 1 : i32
    %dma_start3A_43 = arith.constant 128 : i32
    %dma_start3A_44 = arith.constant 0 : i32
    %dma_start3A_45 = tpu.memref_slice %arg9[%dma_start3A_43, %dma_start3A_44] : memref<512x64xbf16, #tpu.memory_space<vmem>> -> memref<128x64xbf16, #tpu.memory_space<vmem>>
    %dma_start3A_46 = arith.constant 0 : i32
    %dma_start3A_47 = tpu.memref_slice %arg11[%dma_start3A_42, %dma_start3A_46] : memref<4x128xi32, #tpu.memory_space<vmem>> -> memref<1x128xi32, #tpu.memory_space<vmem>>
    %dma_start3A_48 = tpu.memref_squeeze %dma_start3A_47 : memref<1x128xi32, #tpu.memory_space<vmem>> -> memref<128xi32, #tpu.memory_space<vmem>>
    %dma_start3A_49 = arith.constant 0 : i32
    %dma_start3A_50 = arith.constant 0 : i32
    %dma_start3A_51 = tpu.memref_slice %arg6[%dma_start3A_49, %dma_start3A_50] : memref<256x64xbf16, #tpu.memory_space<hbm>> -> memref<256x64xbf16, #tpu.memory_space<hbm>>
    tpu.enqueue_indirect_dma source(%dma_start3A_51 : memref<256x64xbf16, #tpu.memory_space<hbm>>) target(%dma_start3A_45 : memref<128x64xbf16, #tpu.memory_space<vmem>>) offsets(%dma_start3A_48 : memref<128xi32, #tpu.memory_space<vmem>>) semaphore(%arg16 : memref<!tpu.dma_semaphore, #tpu.memory_space<semaphore_mem>>)
    %dma_start3A_52 = arith.constant 2 : i32
    %dma_start3A_53 = arith.constant 256 : i32
    %dma_start3A_54 = arith.constant 0 : i32
    %dma_start3A_55 = tpu.memref_slice %arg9[%dma_start3A_53, %dma_start3A_54] : memref<512x64xbf16, #tpu.memory_space<vmem>> -> memref<128x64xbf16, #tpu.memory_space<vmem>>
    %dma_start3A_56 = arith.constant 0 : i32
    %dma_start3A_57 = tpu.memref_slice %arg11[%dma_start3A_52, %dma_start3A_56] : memref<4x128xi32, #tpu.memory_space<vmem>> -> memref<1x128xi32, #tpu.memory_space<vmem>>
    %dma_start3A_58 = tpu.memref_squeeze %dma_start3A_57 : memref<1x128xi32, #tpu.memory_space<vmem>> -> memref<128xi32, #tpu.memory_space<vmem>>
    %dma_start3A_59 = arith.constant 0 : i32
    %dma_start3A_60 = arith.constant 0 : i32
    %dma_start3A_61 = tpu.memref_slice %arg6[%dma_start3A_59, %dma_start3A_60] : memref<256x64xbf16, #tpu.memory_space<hbm>> -> memref<256x64xbf16, #tpu.memory_space<hbm>>
    tpu.enqueue_indirect_dma source(%dma_start3A_61 : memref<256x64xbf16, #tpu.memory_space<hbm>>) target(%dma_start3A_55 : memref<128x64xbf16, #tpu.memory_space<vmem>>) offsets(%dma_start3A_58 : memref<128xi32, #tpu.memory_space<vmem>>) semaphore(%arg16 : memref<!tpu.dma_semaphore, #tpu.memory_space<semaphore_mem>>)
    %dma_start3A_62 = arith.constant 3 : i32
    %dma_start3A_63 = arith.constant 384 : i32
    %dma_start3A_64 = arith.constant 0 : i32
    %dma_start3A_65 = tpu.memref_slice %arg9[%dma_start3A_63, %dma_start3A_64] : memref<512x64xbf16, #tpu.memory_space<vmem>> -> memref<128x64xbf16, #tpu.memory_space<vmem>>
    %dma_start3A_66 = arith.constant 0 : i32
    %dma_start3A_67 = tpu.memref_slice %arg11[%dma_start3A_62, %dma_start3A_66] : memref<4x128xi32, #tpu.memory_space<vmem>> -> memref<1x128xi32, #tpu.memory_space<vmem>>
    %dma_start3A_68 = tpu.memref_squeeze %dma_start3A_67 : memref<1x128xi32, #tpu.memory_space<vmem>> -> memref<128xi32, #tpu.memory_space<vmem>>
    %dma_start3A_69 = arith.constant 0 : i32
    %dma_start3A_70 = arith.constant 0 : i32
    %dma_start3A_71 = tpu.memref_slice %arg6[%dma_start3A_69, %dma_start3A_70] : memref<256x64xbf16, #tpu.memory_space<hbm>> -> memref<256x64xbf16, #tpu.memory_space<hbm>>
    tpu.enqueue_indirect_dma source(%dma_start3A_71 : memref<256x64xbf16, #tpu.memory_space<hbm>>) target(%dma_start3A_65 : memref<128x64xbf16, #tpu.memory_space<vmem>>) offsets(%dma_start3A_68 : memref<128xi32, #tpu.memory_space<vmem>>) semaphore(%arg16 : memref<!tpu.dma_semaphore, #tpu.memory_space<semaphore_mem>>)
    %get3A = arith.constant 0 : i32
    %get3A_72 = arith.index_cast %get3A : i32 to index
    %get3A_73 = arith.constant 0 : index
    %get3A_74 = tpu.vector_load %arg11[%get3A_72, %get3A_73] {strides = array<i32>} : memref<4x128xi32, #tpu.memory_space<vmem>>, vector<16xi32>,
    %gather3A = tpu.vector_load_idx %arg13[%get3A_74] : memref<256xi32, #tpu.memory_space<vmem>>[vector<16xi32>], vector<16xi32>,
    %swap3A = arith.constant 0 : i32
    %swap3A_75 = arith.index_cast %swap3A : i32 to index
    %swap3A_76 = arith.constant 0 : index
    %swap3A_77 = tpu.vector_load %arg12[%swap3A_75, %swap3A_76] {strides = array<i32>} : memref<4x128xi32, #tpu.memory_space<vmem>>, vector<16xi32>,
    tpu.vector_store %arg12[%swap3A_75, %swap3A_76], %gather3A {strides = array<i32>} : memref<4x128xi32, #tpu.memory_space<vmem>>, vector<16xi32>,
    %get3A_78 = arith.constant 0 : i32
    %get3A_79 = arith.index_cast %get3A_78 : i32 to index
    %get3A_80 = arith.constant 16 : index
    %get3A_81 = tpu.vector_load %arg11[%get3A_79, %get3A_80] {strides = array<i32>} : memref<4x128xi32, #tpu.memory_space<vmem>>, vector<16xi32>,
    %gather3A_82 = tpu.vector_load_idx %arg13[%get3A_81] : memref<256xi32, #tpu.memory_space<vmem>>[vector<16xi32>], vector<16xi32>,
    %swap3A_83 = arith.constant 0 : i32
    %swap3A_84 = arith.index_cast %swap3A_83 : i32 to index
    %swap3A_85 = arith.constant 16 : index
    %swap3A_86 = tpu.vector_load %arg12[%swap3A_84, %swap3A_85] {strides = array<i32>} : memref<4x128xi32, #tpu.memory_space<vmem>>, vector<16xi32>,
    tpu.vector_store %arg12[%swap3A_84, %swap3A_85], %gather3A_82 {strides = array<i32>} : memref<4x128xi32, #tpu.memory_space<vmem>>, vector<16xi32>,
    %get3A_87 = arith.constant 0 : i32
    %get3A_88 = arith.index_cast %get3A_87 : i32 to index
    %get3A_89 = arith.constant 32 : index
    %get3A_90 = tpu.vector_load %arg11[%get3A_88, %get3A_89] {strides = array<i32>} : memref<4x128xi32, #tpu.memory_space<vmem>>, vector<16xi32>,
    %gather3A_91 = tpu.vector_load_idx %arg13[%get3A_90] : memref<256xi32, #tpu.memory_space<vmem>>[vector<16xi32>], vector<16xi32>,
    %swap3A_92 = arith.constant 0 : i32
    %swap3A_93 = arith.index_cast %swap3A_92 : i32 to index
    %swap3A_94 = arith.constant 32 : index
    %swap3A_95 = tpu.vector_load %arg12[%swap3A_93, %swap3A_94] {strides = array<i32>} : memref<4x128xi32, #tpu.memory_space<vmem>>, vector<16xi32>,
    tpu.vector_store %arg12[%swap3A_93, %swap3A_94], %gather3A_91 {strides = array<i32>} : memref<4x128xi32, #tpu.memory_space<vmem>>, vector<16xi32>,
    %get3A_96 = arith.constant 0 : i32
    %get3A_97 = arith.index_cast %get3A_96 : i32 to index
    %get3A_98 = arith.constant 48 : index
    %get3A_99 = tpu.vector_load %arg11[%get3A_97, %get3A_98] {strides = array<i32>} : memref<4x128xi32, #tpu.memory_space<vmem>>, vector<16xi32>,
    %gather3A_100 = tpu.vector_load_idx %arg13[%get3A_99] : memref<256xi32, #tpu.memory_space<vmem>>[vector<16xi32>], vector<16xi32>,
    %swap3A_101 = arith.constant 0 : i32
    %swap3A_102 = arith.index_cast %swap3A_101 : i32 to index
    %swap3A_103 = arith.constant 48 : index
    %swap3A_104 = tpu.vector_load %arg12[%swap3A_102, %swap3A_103] {strides = array<i32>} : memref<4x128xi32, #tpu.memory_space<vmem>>, vector<16xi32>,
    tpu.vector_store %arg12[%swap3A_102, %swap3A_103], %gather3A_100 {strides = array<i32>} : memref<4x128xi32, #tpu.memory_space<vmem>>, vector<16xi32>,
    %get3A_105 = arith.constant 0 : i32
    %get3A_106 = arith.index_cast %get3A_105 : i32 to index
    %get3A_107 = arith.constant 64 : index
    %get3A_108 = tpu.vector_load %arg11[%get3A_106, %get3A_107] {strides = array<i32>} : memref<4x128xi32, #tpu.memory_space<vmem>>, vector<16xi32>,
    %gather3A_109 = tpu.vector_load_idx %arg13[%get3A_108] : memref<256xi32, #tpu.memory_space<vmem>>[vector<16xi32>], vector<16xi32>,
    %swap3A_110 = arith.constant 0 : i32
    %swap3A_111 = arith.index_cast %swap3A_110 : i32 to index
    %swap3A_112 = arith.constant 64 : index
    %swap3A_113 = tpu.vector_load %arg12[%swap3A_111, %swap3A_112] {strides = array<i32>} : memref<4x128xi32, #tpu.memory_space<vmem>>, vector<16xi32>,
    tpu.vector_store %arg12[%swap3A_111, %swap3A_112], %gather3A_109 {strides = array<i32>} : memref<4x128xi32, #tpu.memory_space<vmem>>, vector<16xi32>,
    %get3A_114 = arith.constant 0 : i32
    %get3A_115 = arith.index_cast %get3A_114 : i32 to index
    %get3A_116 = arith.constant 80 : index
    %get3A_117 = tpu.vector_load %arg11[%get3A_115, %get3A_116] {strides = array<i32>} : memref<4x128xi32, #tpu.memory_space<vmem>>, vector<16xi32>,
    %gather3A_118 = tpu.vector_load_idx %arg13[%get3A_117] : memref<256xi32, #tpu.memory_space<vmem>>[vector<16xi32>], vector<16xi32>,
    %swap3A_119 = arith.constant 0 : i32
    %swap3A_120 = arith.index_cast %swap3A_119 : i32 to index
    %swap3A_121 = arith.constant 80 : index
    %swap3A_122 = tpu.vector_load %arg12[%swap3A_120, %swap3A_121] {strides = array<i32>} : memref<4x128xi32, #tpu.memory_space<vmem>>, vector<16xi32>,
    tpu.vector_store %arg12[%swap3A_120, %swap3A_121], %gather3A_118 {strides = array<i32>} : memref<4x128xi32, #tpu.memory_space<vmem>>, vector<16xi32>,
    %get3A_123 = arith.constant 0 : i32
    %get3A_124 = arith.index_cast %get3A_123 : i32 to index
    %get3A_125 = arith.constant 96 : index
    %get3A_126 = tpu.vector_load %arg11[%get3A_124, %get3A_125] {strides = array<i32>} : memref<4x128xi32, #tpu.memory_space<vmem>>, vector<16xi32>,
    %gather3A_127 = tpu.vector_load_idx %arg13[%get3A_126] : memref<256xi32, #tpu.memory_space<vmem>>[vector<16xi32>], vector<16xi32>,
    %swap3A_128 = arith.constant 0 : i32
    %swap3A_129 = arith.index_cast %swap3A_128 : i32 to index
    %swap3A_130 = arith.constant 96 : index
    %swap3A_131 = tpu.vector_load %arg12[%swap3A_129, %swap3A_130] {strides = array<i32>} : memref<4x128xi32, #tpu.memory_space<vmem>>, vector<16xi32>,
    tpu.vector_store %arg12[%swap3A_129, %swap3A_130], %gather3A_127 {strides = array<i32>} : memref<4x128xi32, #tpu.memory_space<vmem>>, vector<16xi32>,
    %get3A_132 = arith.constant 0 : i32
    %get3A_133 = arith.index_cast %get3A_132 : i32 to index
    %get3A_134 = arith.constant 112 : index
    %get3A_135 = tpu.vector_load %arg11[%get3A_133, %get3A_134] {strides = array<i32>} : memref<4x128xi32, #tpu.memory_space<vmem>>, vector<16xi32>,
    %gather3A_136 = tpu.vector_load_idx %arg13[%get3A_135] : memref<256xi32, #tpu.memory_space<vmem>>[vector<16xi32>], vector<16xi32>,
    %swap3A_137 = arith.constant 0 : i32
    %swap3A_138 = arith.index_cast %swap3A_137 : i32 to index
    %swap3A_139 = arith.constant 112 : index
    %swap3A_140 = tpu.vector_load %arg12[%swap3A_138, %swap3A_139] {strides = array<i32>} : memref<4x128xi32, #tpu.memory_space<vmem>>, vector<16xi32>,
    tpu.vector_store %arg12[%swap3A_138, %swap3A_139], %gather3A_136 {strides = array<i32>} : memref<4x128xi32, #tpu.memory_space<vmem>>, vector<16xi32>,
    %get3A_141 = arith.constant 1 : i32
    %get3A_142 = arith.index_cast %get3A_141 : i32 to index
    %get3A_143 = arith.constant 0 : index
    %get3A_144 = tpu.vector_load %arg11[%get3A_142, %get3A_143] {strides = array<i32>} : memref<4x128xi32, #tpu.memory_space<vmem>>, vector<16xi32>,
    %gather3A_145 = tpu.vector_load_idx %arg13[%get3A_144] : memref<256xi32, #tpu.memory_space<vmem>>[vector<16xi32>], vector<16xi32>,
    %swap3A_146 = arith.constant 1 : i32
    %swap3A_147 = arith.index_cast %swap3A_146 : i32 to index
    %swap3A_148 = arith.constant 0 : index
    %swap3A_149 = tpu.vector_load %arg12[%swap3A_147, %swap3A_148] {strides = array<i32>} : memref<4x128xi32, #tpu.memory_space<vmem>>, vector<16xi32>,
    tpu.vector_store %arg12[%swap3A_147, %swap3A_148], %gather3A_145 {strides = array<i32>} : memref<4x128xi32, #tpu.memory_space<vmem>>, vector<16xi32>,
    %get3A_150 = arith.constant 1 : i32
    %get3A_151 = arith.index_cast %get3A_150 : i32 to index
    %get3A_152 = arith.constant 16 : index
    %get3A_153 = tpu.vector_load %arg11[%get3A_151, %get3A_152] {strides = array<i32>} : memref<4x128xi32, #tpu.memory_space<vmem>>, vector<16xi32>,
    %gather3A_154 = tpu.vector_load_idx %arg13[%get3A_153] : memref<256xi32, #tpu.memory_space<vmem>>[vector<16xi32>], vector<16xi32>,
    %swap3A_155 = arith.constant 1 : i32
    %swap3A_156 = arith.index_cast %swap3A_155 : i32 to index
    %swap3A_157 = arith.constant 16 : index
    %swap3A_158 = tpu.vector_load %arg12[%swap3A_156, %swap3A_157] {strides = array<i32>} : memref<4x128xi32, #tpu.memory_space<vmem>>, vector<16xi32>,
    tpu.vector_store %arg12[%swap3A_156, %swap3A_157], %gather3A_154 {strides = array<i32>} : memref<4x128xi32, #tpu.memory_space<vmem>>, vector<16xi32>,
    %get3A_159 = arith.constant 1 : i32
    %get3A_160 = arith.index_cast %get3A_159 : i32 to index
    %get3A_161 = arith.constant 32 : index
    %get3A_162 = tpu.vector_load %arg11[%get3A_160, %get3A_161] {strides = array<i32>} : memref<4x128xi32, #tpu.memory_space<vmem>>, vector<16xi32>,
    %gather3A_163 = tpu.vector_load_idx %arg13[%get3A_162] : memref<256xi32, #tpu.memory_space<vmem>>[vector<16xi32>], vector<16xi32>,
    %swap3A_164 = arith.constant 1 : i32
    %swap3A_165 = arith.index_cast %swap3A_164 : i32 to index
    %swap3A_166 = arith.constant 32 : index
    %swap3A_167 = tpu.vector_load %arg12[%swap3A_165, %swap3A_166] {strides = array<i32>} : memref<4x128xi32, #tpu.memory_space<vmem>>, vector<16xi32>,
    tpu.vector_store %arg12[%swap3A_165, %swap3A_166], %gather3A_163 {strides = array<i32>} : memref<4x128xi32, #tpu.memory_space<vmem>>, vector<16xi32>,
    %get3A_168 = arith.constant 1 : i32
    %get3A_169 = arith.index_cast %get3A_168 : i32 to index
    %get3A_170 = arith.constant 48 : index
    %get3A_171 = tpu.vector_load %arg11[%get3A_169, %get3A_170] {strides = array<i32>} : memref<4x128xi32, #tpu.memory_space<vmem>>, vector<16xi32>,
    %gather3A_172 = tpu.vector_load_idx %arg13[%get3A_171] : memref<256xi32, #tpu.memory_space<vmem>>[vector<16xi32>], vector<16xi32>,
    %swap3A_173 = arith.constant 1 : i32
    %swap3A_174 = arith.index_cast %swap3A_173 : i32 to index
    %swap3A_175 = arith.constant 48 : index
    %swap3A_176 = tpu.vector_load %arg12[%swap3A_174, %swap3A_175] {strides = array<i32>} : memref<4x128xi32, #tpu.memory_space<vmem>>, vector<16xi32>,
    tpu.vector_store %arg12[%swap3A_174, %swap3A_175], %gather3A_172 {strides = array<i32>} : memref<4x128xi32, #tpu.memory_space<vmem>>, vector<16xi32>,
    %get3A_177 = arith.constant 1 : i32
    %get3A_178 = arith.index_cast %get3A_177 : i32 to index
    %get3A_179 = arith.constant 64 : index
    %get3A_180 = tpu.vector_load %arg11[%get3A_178, %get3A_179] {strides = array<i32>} : memref<4x128xi32, #tpu.memory_space<vmem>>, vector<16xi32>,
    %gather3A_181 = tpu.vector_load_idx %arg13[%get3A_180] : memref<256xi32, #tpu.memory_space<vmem>>[vector<16xi32>], vector<16xi32>,
    %swap3A_182 = arith.constant 1 : i32
    %swap3A_183 = arith.index_cast %swap3A_182 : i32 to index
    %swap3A_184 = arith.constant 64 : index
    %swap3A_185 = tpu.vector_load %arg12[%swap3A_183, %swap3A_184] {strides = array<i32>} : memref<4x128xi32, #tpu.memory_space<vmem>>, vector<16xi32>,
    tpu.vector_store %arg12[%swap3A_183, %swap3A_184], %gather3A_181 {strides = array<i32>} : memref<4x128xi32, #tpu.memory_space<vmem>>, vector<16xi32>,
    %get3A_186 = arith.constant 1 : i32
    %get3A_187 = arith.index_cast %get3A_186 : i32 to index
    %get3A_188 = arith.constant 80 : index
    %get3A_189 = tpu.vector_load %arg11[%get3A_187, %get3A_188] {strides = array<i32>} : memref<4x128xi32, #tpu.memory_space<vmem>>, vector<16xi32>,
    %gather3A_190 = tpu.vector_load_idx %arg13[%get3A_189] : memref<256xi32, #tpu.memory_space<vmem>>[vector<16xi32>], vector<16xi32>,
    %swap3A_191 = arith.constant 1 : i32
    %swap3A_192 = arith.index_cast %swap3A_191 : i32 to index
    %swap3A_193 = arith.constant 80 : index
    %swap3A_194 = tpu.vector_load %arg12[%swap3A_192, %swap3A_193] {strides = array<i32>} : memref<4x128xi32, #tpu.memory_space<vmem>>, vector<16xi32>,
    tpu.vector_store %arg12[%swap3A_192, %swap3A_193], %gather3A_190 {strides = array<i32>} : memref<4x128xi32, #tpu.memory_space<vmem>>, vector<16xi32>,
    %get3A_195 = arith.constant 1 : i32
    %get3A_196 = arith.index_cast %get3A_195 : i32 to index
    %get3A_197 = arith.constant 96 : index
    %get3A_198 = tpu.vector_load %arg11[%get3A_196, %get3A_197] {strides = array<i32>} : memref<4x128xi32, #tpu.memory_space<vmem>>, vector<16xi32>,
    %gather3A_199 = tpu.vector_load_idx %arg13[%get3A_198] : memref<256xi32, #tpu.memory_space<vmem>>[vector<16xi32>], vector<16xi32>,
    %swap3A_200 = arith.constant 1 : i32
    %swap3A_201 = arith.index_cast %swap3A_200 : i32 to index
    %swap3A_202 = arith.constant 96 : index
    %swap3A_203 = tpu.vector_load %arg12[%swap3A_201, %swap3A_202] {strides = array<i32>} : memref<4x128xi32, #tpu.memory_space<vmem>>, vector<16xi32>,
    tpu.vector_store %arg12[%swap3A_201, %swap3A_202], %gather3A_199 {strides = array<i32>} : memref<4x128xi32, #tpu.memory_space<vmem>>, vector<16xi32>,
    %get3A_204 = arith.constant 1 : i32
    %get3A_205 = arith.index_cast %get3A_204 : i32 to index
    %get3A_206 = arith.constant 112 : index
    %get3A_207 = tpu.vector_load %arg11[%get3A_205, %get3A_206] {strides = array<i32>} : memref<4x128xi32, #tpu.memory_space<vmem>>, vector<16xi32>,
    %gather3A_208 = tpu.vector_load_idx %arg13[%get3A_207] : memref<256xi32, #tpu.memory_space<vmem>>[vector<16xi32>], vector<16xi32>,
    %swap3A_209 = arith.constant 1 : i32
    %swap3A_210 = arith.index_cast %swap3A_209 : i32 to index
    %swap3A_211 = arith.constant 112 : index
    %swap3A_212 = tpu.vector_load %arg12[%swap3A_210, %swap3A_211] {strides = array<i32>} : memref<4x128xi32, #tpu.memory_space<vmem>>, vector<16xi32>,
    tpu.vector_store %arg12[%swap3A_210, %swap3A_211], %gather3A_208 {strides = array<i32>} : memref<4x128xi32, #tpu.memory_space<vmem>>, vector<16xi32>,
    %get3A_213 = arith.constant 2 : i32
    %get3A_214 = arith.index_cast %get3A_213 : i32 to index
    %get3A_215 = arith.constant 0 : index
    %get3A_216 = tpu.vector_load %arg11[%get3A_214, %get3A_215] {strides = array<i32>} : memref<4x128xi32, #tpu.memory_space<vmem>>, vector<16xi32>,
    %gather3A_217 = tpu.vector_load_idx %arg13[%get3A_216] : memref<256xi32, #tpu.memory_space<vmem>>[vector<16xi32>], vector<16xi32>,
    %swap3A_218 = arith.constant 2 : i32
    %swap3A_219 = arith.index_cast %swap3A_218 : i32 to index
    %swap3A_220 = arith.constant 0 : index
    %swap3A_221 = tpu.vector_load %arg12[%swap3A_219, %swap3A_220] {strides = array<i32>} : memref<4x128xi32, #tpu.memory_space<vmem>>, vector<16xi32>,
    tpu.vector_store %arg12[%swap3A_219, %swap3A_220], %gather3A_217 {strides = array<i32>} : memref<4x128xi32, #tpu.memory_space<vmem>>, vector<16xi32>,
    %get3A_222 = arith.constant 2 : i32
    %get3A_223 = arith.index_cast %get3A_222 : i32 to index
    %get3A_224 = arith.constant 16 : index
    %get3A_225 = tpu.vector_load %arg11[%get3A_223, %get3A_224] {strides = array<i32>} : memref<4x128xi32, #tpu.memory_space<vmem>>, vector<16xi32>,
    %gather3A_226 = tpu.vector_load_idx %arg13[%get3A_225] : memref<256xi32, #tpu.memory_space<vmem>>[vector<16xi32>], vector<16xi32>,
    %swap3A_227 = arith.constant 2 : i32
    %swap3A_228 = arith.index_cast %swap3A_227 : i32 to index
    %swap3A_229 = arith.constant 16 : index
    %swap3A_230 = tpu.vector_load %arg12[%swap3A_228, %swap3A_229] {strides = array<i32>} : memref<4x128xi32, #tpu.memory_space<vmem>>, vector<16xi32>,
    tpu.vector_store %arg12[%swap3A_228, %swap3A_229], %gather3A_226 {strides = array<i32>} : memref<4x128xi32, #tpu.memory_space<vmem>>, vector<16xi32>,
    %get3A_231 = arith.constant 2 : i32
    %get3A_232 = arith.index_cast %get3A_231 : i32 to index
    %get3A_233 = arith.constant 32 : index
    %get3A_234 = tpu.vector_load %arg11[%get3A_232, %get3A_233] {strides = array<i32>} : memref<4x128xi32, #tpu.memory_space<vmem>>, vector<16xi32>,
    %gather3A_235 = tpu.vector_load_idx %arg13[%get3A_234] : memref<256xi32, #tpu.memory_space<vmem>>[vector<16xi32>], vector<16xi32>,
    %swap3A_236 = arith.constant 2 : i32
    %swap3A_237 = arith.index_cast %swap3A_236 : i32 to index
    %swap3A_238 = arith.constant 32 : index
    %swap3A_239 = tpu.vector_load %arg12[%swap3A_237, %swap3A_238] {strides = array<i32>} : memref<4x128xi32, #tpu.memory_space<vmem>>, vector<16xi32>,
    tpu.vector_store %arg12[%swap3A_237, %swap3A_238], %gather3A_235 {strides = array<i32>} : memref<4x128xi32, #tpu.memory_space<vmem>>, vector<16xi32>,
    %get3A_240 = arith.constant 2 : i32
    %get3A_241 = arith.index_cast %get3A_240 : i32 to index
    %get3A_242 = arith.constant 48 : index
    %get3A_243 = tpu.vector_load %arg11[%get3A_241, %get3A_242] {strides = array<i32>} : memref<4x128xi32, #tpu.memory_space<vmem>>, vector<16xi32>,
    %gather3A_244 = tpu.vector_load_idx %arg13[%get3A_243] : memref<256xi32, #tpu.memory_space<vmem>>[vector<16xi32>], vector<16xi32>,
    %swap3A_245 = arith.constant 2 : i32
    %swap3A_246 = arith.index_cast %swap3A_245 : i32 to index
    %swap3A_247 = arith.constant 48 : index
    %swap3A_248 = tpu.vector_load %arg12[%swap3A_246, %swap3A_247] {strides = array<i32>} : memref<4x128xi32, #tpu.memory_space<vmem>>, vector<16xi32>,
    tpu.vector_store %arg12[%swap3A_246, %swap3A_247], %gather3A_244 {strides = array<i32>} : memref<4x128xi32, #tpu.memory_space<vmem>>, vector<16xi32>,
    %get3A_249 = arith.constant 2 : i32
    %get3A_250 = arith.index_cast %get3A_249 : i32 to index
    %get3A_251 = arith.constant 64 : index
    %get3A_252 = tpu.vector_load %arg11[%get3A_250, %get3A_251] {strides = array<i32>} : memref<4x128xi32, #tpu.memory_space<vmem>>, vector<16xi32>,
    %gather3A_253 = tpu.vector_load_idx %arg13[%get3A_252] : memref<256xi32, #tpu.memory_space<vmem>>[vector<16xi32>], vector<16xi32>,
    %swap3A_254 = arith.constant 2 : i32
    %swap3A_255 = arith.index_cast %swap3A_254 : i32 to index
    %swap3A_256 = arith.constant 64 : index
    %swap3A_257 = tpu.vector_load %arg12[%swap3A_255, %swap3A_256] {strides = array<i32>} : memref<4x128xi32, #tpu.memory_space<vmem>>, vector<16xi32>,
    tpu.vector_store %arg12[%swap3A_255, %swap3A_256], %gather3A_253 {strides = array<i32>} : memref<4x128xi32, #tpu.memory_space<vmem>>, vector<16xi32>,
    %get3A_258 = arith.constant 2 : i32
    %get3A_259 = arith.index_cast %get3A_258 : i32 to index
    %get3A_260 = arith.constant 80 : index
    %get3A_261 = tpu.vector_load %arg11[%get3A_259, %get3A_260] {strides = array<i32>} : memref<4x128xi32, #tpu.memory_space<vmem>>, vector<16xi32>,
    %gather3A_262 = tpu.vector_load_idx %arg13[%get3A_261] : memref<256xi32, #tpu.memory_space<vmem>>[vector<16xi32>], vector<16xi32>,
    %swap3A_263 = arith.constant 2 : i32
    %swap3A_264 = arith.index_cast %swap3A_263 : i32 to index
    %swap3A_265 = arith.constant 80 : index
    %swap3A_266 = tpu.vector_load %arg12[%swap3A_264, %swap3A_265] {strides = array<i32>} : memref<4x128xi32, #tpu.memory_space<vmem>>, vector<16xi32>,
    tpu.vector_store %arg12[%swap3A_264, %swap3A_265], %gather3A_262 {strides = array<i32>} : memref<4x128xi32, #tpu.memory_space<vmem>>, vector<16xi32>,
    %get3A_267 = arith.constant 2 : i32
    %get3A_268 = arith.index_cast %get3A_267 : i32 to index
    %get3A_269 = arith.constant 96 : index
    %get3A_270 = tpu.vector_load %arg11[%get3A_268, %get3A_269] {strides = array<i32>} : memref<4x128xi32, #tpu.memory_space<vmem>>, vector<16xi32>,
    %gather3A_271 = tpu.vector_load_idx %arg13[%get3A_270] : memref<256xi32, #tpu.memory_space<vmem>>[vector<16xi32>], vector<16xi32>,
    %swap3A_272 = arith.constant 2 : i32
    %swap3A_273 = arith.index_cast %swap3A_272 : i32 to index
    %swap3A_274 = arith.constant 96 : index
    %swap3A_275 = tpu.vector_load %arg12[%swap3A_273, %swap3A_274] {strides = array<i32>} : memref<4x128xi32, #tpu.memory_space<vmem>>, vector<16xi32>,
    tpu.vector_store %arg12[%swap3A_273, %swap3A_274], %gather3A_271 {strides = array<i32>} : memref<4x128xi32, #tpu.memory_space<vmem>>, vector<16xi32>,
    %get3A_276 = arith.constant 2 : i32
    %get3A_277 = arith.index_cast %get3A_276 : i32 to index
    %get3A_278 = arith.constant 112 : index
    %get3A_279 = tpu.vector_load %arg11[%get3A_277, %get3A_278] {strides = array<i32>} : memref<4x128xi32, #tpu.memory_space<vmem>>, vector<16xi32>,
    %gather3A_280 = tpu.vector_load_idx %arg13[%get3A_279] : memref<256xi32, #tpu.memory_space<vmem>>[vector<16xi32>], vector<16xi32>,
    %swap3A_281 = arith.constant 2 : i32
    %swap3A_282 = arith.index_cast %swap3A_281 : i32 to index
    %swap3A_283 = arith.constant 112 : index
    %swap3A_284 = tpu.vector_load %arg12[%swap3A_282, %swap3A_283] {strides = array<i32>} : memref<4x128xi32, #tpu.memory_space<vmem>>, vector<16xi32>,
    tpu.vector_store %arg12[%swap3A_282, %swap3A_283], %gather3A_280 {strides = array<i32>} : memref<4x128xi32, #tpu.memory_space<vmem>>, vector<16xi32>,
    %get3A_285 = arith.constant 3 : i32
    %get3A_286 = arith.index_cast %get3A_285 : i32 to index
    %get3A_287 = arith.constant 0 : index
    %get3A_288 = tpu.vector_load %arg11[%get3A_286, %get3A_287] {strides = array<i32>} : memref<4x128xi32, #tpu.memory_space<vmem>>, vector<16xi32>,
    %gather3A_289 = tpu.vector_load_idx %arg13[%get3A_288] : memref<256xi32, #tpu.memory_space<vmem>>[vector<16xi32>], vector<16xi32>,
    %swap3A_290 = arith.constant 3 : i32
    %swap3A_291 = arith.index_cast %swap3A_290 : i32 to index
    %swap3A_292 = arith.constant 0 : index
    %swap3A_293 = tpu.vector_load %arg12[%swap3A_291, %swap3A_292] {strides = array<i32>} : memref<4x128xi32, #tpu.memory_space<vmem>>, vector<16xi32>,
    tpu.vector_store %arg12[%swap3A_291, %swap3A_292], %gather3A_289 {strides = array<i32>} : memref<4x128xi32, #tpu.memory_space<vmem>>, vector<16xi32>,
    %get3A_294 = arith.constant 3 : i32
    %get3A_295 = arith.index_cast %get3A_294 : i32 to index
    %get3A_296 = arith.constant 16 : index
    %get3A_297 = tpu.vector_load %arg11[%get3A_295, %get3A_296] {strides = array<i32>} : memref<4x128xi32, #tpu.memory_space<vmem>>, vector<16xi32>,
    %gather3A_298 = tpu.vector_load_idx %arg13[%get3A_297] : memref<256xi32, #tpu.memory_space<vmem>>[vector<16xi32>], vector<16xi32>,
    %swap3A_299 = arith.constant 3 : i32
    %swap3A_300 = arith.index_cast %swap3A_299 : i32 to index
    %swap3A_301 = arith.constant 16 : index
    %swap3A_302 = tpu.vector_load %arg12[%swap3A_300, %swap3A_301] {strides = array<i32>} : memref<4x128xi32, #tpu.memory_space<vmem>>, vector<16xi32>,
    tpu.vector_store %arg12[%swap3A_300, %swap3A_301], %gather3A_298 {strides = array<i32>} : memref<4x128xi32, #tpu.memory_space<vmem>>, vector<16xi32>,
    %get3A_303 = arith.constant 3 : i32
    %get3A_304 = arith.index_cast %get3A_303 : i32 to index
    %get3A_305 = arith.constant 32 : index
    %get3A_306 = tpu.vector_load %arg11[%get3A_304, %get3A_305] {strides = array<i32>} : memref<4x128xi32, #tpu.memory_space<vmem>>, vector<16xi32>,
    %gather3A_307 = tpu.vector_load_idx %arg13[%get3A_306] : memref<256xi32, #tpu.memory_space<vmem>>[vector<16xi32>], vector<16xi32>,
    %swap3A_308 = arith.constant 3 : i32
    %swap3A_309 = arith.index_cast %swap3A_308 : i32 to index
    %swap3A_310 = arith.constant 32 : index
    %swap3A_311 = tpu.vector_load %arg12[%swap3A_309, %swap3A_310] {strides = array<i32>} : memref<4x128xi32, #tpu.memory_space<vmem>>, vector<16xi32>,
    tpu.vector_store %arg12[%swap3A_309, %swap3A_310], %gather3A_307 {strides = array<i32>} : memref<4x128xi32, #tpu.memory_space<vmem>>, vector<16xi32>,
    %get3A_312 = arith.constant 3 : i32
    %get3A_313 = arith.index_cast %get3A_312 : i32 to index
    %get3A_314 = arith.constant 48 : index
    %get3A_315 = tpu.vector_load %arg11[%get3A_313, %get3A_314] {strides = array<i32>} : memref<4x128xi32, #tpu.memory_space<vmem>>, vector<16xi32>,
    %gather3A_316 = tpu.vector_load_idx %arg13[%get3A_315] : memref<256xi32, #tpu.memory_space<vmem>>[vector<16xi32>], vector<16xi32>,
    %swap3A_317 = arith.constant 3 : i32
    %swap3A_318 = arith.index_cast %swap3A_317 : i32 to index
    %swap3A_319 = arith.constant 48 : index
    %swap3A_320 = tpu.vector_load %arg12[%swap3A_318, %swap3A_319] {strides = array<i32>} : memref<4x128xi32, #tpu.memory_space<vmem>>, vector<16xi32>,
    tpu.vector_store %arg12[%swap3A_318, %swap3A_319], %gather3A_316 {strides = array<i32>} : memref<4x128xi32, #tpu.memory_space<vmem>>, vector<16xi32>,
    %get3A_321 = arith.constant 3 : i32
    %get3A_322 = arith.index_cast %get3A_321 : i32 to index
    %get3A_323 = arith.constant 64 : index
    %get3A_324 = tpu.vector_load %arg11[%get3A_322, %get3A_323] {strides = array<i32>} : memref<4x128xi32, #tpu.memory_space<vmem>>, vector<16xi32>,
    %gather3A_325 = tpu.vector_load_idx %arg13[%get3A_324] : memref<256xi32, #tpu.memory_space<vmem>>[vector<16xi32>], vector<16xi32>,
    %swap3A_326 = arith.constant 3 : i32
    %swap3A_327 = arith.index_cast %swap3A_326 : i32 to index
    %swap3A_328 = arith.constant 64 : index
    %swap3A_329 = tpu.vector_load %arg12[%swap3A_327, %swap3A_328] {strides = array<i32>} : memref<4x128xi32, #tpu.memory_space<vmem>>, vector<16xi32>,
    tpu.vector_store %arg12[%swap3A_327, %swap3A_328], %gather3A_325 {strides = array<i32>} : memref<4x128xi32, #tpu.memory_space<vmem>>, vector<16xi32>,
    %get3A_330 = arith.constant 3 : i32
    %get3A_331 = arith.index_cast %get3A_330 : i32 to index
    %get3A_332 = arith.constant 80 : index
    %get3A_333 = tpu.vector_load %arg11[%get3A_331, %get3A_332] {strides = array<i32>} : memref<4x128xi32, #tpu.memory_space<vmem>>, vector<16xi32>,
    %gather3A_334 = tpu.vector_load_idx %arg13[%get3A_333] : memref<256xi32, #tpu.memory_space<vmem>>[vector<16xi32>], vector<16xi32>,
    %swap3A_335 = arith.constant 3 : i32
    %swap3A_336 = arith.index_cast %swap3A_335 : i32 to index
    %swap3A_337 = arith.constant 80 : index
    %swap3A_338 = tpu.vector_load %arg12[%swap3A_336, %swap3A_337] {strides = array<i32>} : memref<4x128xi32, #tpu.memory_space<vmem>>, vector<16xi32>,
    tpu.vector_store %arg12[%swap3A_336, %swap3A_337], %gather3A_334 {strides = array<i32>} : memref<4x128xi32, #tpu.memory_space<vmem>>, vector<16xi32>,
    %get3A_339 = arith.constant 3 : i32
    %get3A_340 = arith.index_cast %get3A_339 : i32 to index
    %get3A_341 = arith.constant 96 : index
    %get3A_342 = tpu.vector_load %arg11[%get3A_340, %get3A_341] {strides = array<i32>} : memref<4x128xi32, #tpu.memory_space<vmem>>, vector<16xi32>,
    %gather3A_343 = tpu.vector_load_idx %arg13[%get3A_342] : memref<256xi32, #tpu.memory_space<vmem>>[vector<16xi32>], vector<16xi32>,
    %swap3A_344 = arith.constant 3 : i32
    %swap3A_345 = arith.index_cast %swap3A_344 : i32 to index
    %swap3A_346 = arith.constant 96 : index
    %swap3A_347 = tpu.vector_load %arg12[%swap3A_345, %swap3A_346] {strides = array<i32>} : memref<4x128xi32, #tpu.memory_space<vmem>>, vector<16xi32>,
    tpu.vector_store %arg12[%swap3A_345, %swap3A_346], %gather3A_343 {strides = array<i32>} : memref<4x128xi32, #tpu.memory_space<vmem>>, vector<16xi32>,
    %get3A_348 = arith.constant 3 : i32
    %get3A_349 = arith.index_cast %get3A_348 : i32 to index
    %get3A_350 = arith.constant 112 : index
    %get3A_351 = tpu.vector_load %arg11[%get3A_349, %get3A_350] {strides = array<i32>} : memref<4x128xi32, #tpu.memory_space<vmem>>, vector<16xi32>,
    %gather3A_352 = tpu.vector_load_idx %arg13[%get3A_351] : memref<256xi32, #tpu.memory_space<vmem>>[vector<16xi32>], vector<16xi32>,
    %swap3A_353 = arith.constant 3 : i32
    %swap3A_354 = arith.index_cast %swap3A_353 : i32 to index
    %swap3A_355 = arith.constant 112 : index
    %swap3A_356 = tpu.vector_load %arg12[%swap3A_354, %swap3A_355] {strides = array<i32>} : memref<4x128xi32, #tpu.memory_space<vmem>>, vector<16xi32>,
    tpu.vector_store %arg12[%swap3A_354, %swap3A_355], %gather3A_352 {strides = array<i32>} : memref<4x128xi32, #tpu.memory_space<vmem>>, vector<16xi32>,
    %dma_start3A_357 = arith.constant 0 : i32
    %dma_start3A_358 = arith.constant 0 : i32
    %dma_start3A_359 = arith.constant 0 : i32
    %dma_start3A_360 = tpu.memref_slice %arg10[%dma_start3A_358, %dma_start3A_359] : memref<512x64xbf16, #tpu.memory_space<vmem>> -> memref<128x64xbf16, #tpu.memory_space<vmem>>
    %dma_start3A_361 = arith.constant 0 : i32
    %dma_start3A_362 = tpu.memref_slice %arg12[%dma_start3A_357, %dma_start3A_361] : memref<4x128xi32, #tpu.memory_space<vmem>> -> memref<1x128xi32, #tpu.memory_space<vmem>>
    %dma_start3A_363 = tpu.memref_squeeze %dma_start3A_362 : memref<1x128xi32, #tpu.memory_space<vmem>> -> memref<128xi32, #tpu.memory_space<vmem>>
    %dma_start3A_364 = arith.constant 0 : i32
    %dma_start3A_365 = arith.constant 0 : i32
    %dma_start3A_366 = tpu.memref_slice %arg5[%dma_start3A_364, %dma_start3A_365] : memref<64x64xbf16, #tpu.memory_space<hbm>> -> memref<64x64xbf16, #tpu.memory_space<hbm>>
    tpu.enqueue_indirect_dma source(%dma_start3A_366 : memref<64x64xbf16, #tpu.memory_space<hbm>>) target(%dma_start3A_360 : memref<128x64xbf16, #tpu.memory_space<vmem>>) offsets(%dma_start3A_363 : memref<128xi32, #tpu.memory_space<vmem>>) semaphore(%arg16 : memref<!tpu.dma_semaphore, #tpu.memory_space<semaphore_mem>>)
    %dma_start3A_367 = arith.constant 1 : i32
    %dma_start3A_368 = arith.constant 128 : i32
    %dma_start3A_369 = arith.constant 0 : i32
    %dma_start3A_370 = tpu.memref_slice %arg10[%dma_start3A_368, %dma_start3A_369] : memref<512x64xbf16, #tpu.memory_space<vmem>> -> memref<128x64xbf16, #tpu.memory_space<vmem>>
    %dma_start3A_371 = arith.constant 0 : i32
    %dma_start3A_372 = tpu.memref_slice %arg12[%dma_start3A_367, %dma_start3A_371] : memref<4x128xi32, #tpu.memory_space<vmem>> -> memref<1x128xi32, #tpu.memory_space<vmem>>
    %dma_start3A_373 = tpu.memref_squeeze %dma_start3A_372 : memref<1x128xi32, #tpu.memory_space<vmem>> -> memref<128xi32, #tpu.memory_space<vmem>>
    %dma_start3A_374 = arith.constant 0 : i32
    %dma_start3A_375 = arith.constant 0 : i32
    %dma_start3A_376 = tpu.memref_slice %arg5[%dma_start3A_374, %dma_start3A_375] : memref<64x64xbf16, #tpu.memory_space<hbm>> -> memref<64x64xbf16, #tpu.memory_space<hbm>>
    tpu.enqueue_indirect_dma source(%dma_start3A_376 : memref<64x64xbf16, #tpu.memory_space<hbm>>) target(%dma_start3A_370 : memref<128x64xbf16, #tpu.memory_space<vmem>>) offsets(%dma_start3A_373 : memref<128xi32, #tpu.memory_space<vmem>>) semaphore(%arg16 : memref<!tpu.dma_semaphore, #tpu.memory_space<semaphore_mem>>)
    %dma_start3A_377 = arith.constant 2 : i32
    %dma_start3A_378 = arith.constant 256 : i32
    %dma_start3A_379 = arith.constant 0 : i32
    %dma_start3A_380 = tpu.memref_slice %arg10[%dma_start3A_378, %dma_start3A_379] : memref<512x64xbf16, #tpu.memory_space<vmem>> -> memref<128x64xbf16, #tpu.memory_space<vmem>>
    %dma_start3A_381 = arith.constant 0 : i32
    %dma_start3A_382 = tpu.memref_slice %arg12[%dma_start3A_377, %dma_start3A_381] : memref<4x128xi32, #tpu.memory_space<vmem>> -> memref<1x128xi32, #tpu.memory_space<vmem>>
    %dma_start3A_383 = tpu.memref_squeeze %dma_start3A_382 : memref<1x128xi32, #tpu.memory_space<vmem>> -> memref<128xi32, #tpu.memory_space<vmem>>
    %dma_start3A_384 = arith.constant 0 : i32
    %dma_start3A_385 = arith.constant 0 : i32
    %dma_start3A_386 = tpu.memref_slice %arg5[%dma_start3A_384, %dma_start3A_385] : memref<64x64xbf16, #tpu.memory_space<hbm>> -> memref<64x64xbf16, #tpu.memory_space<hbm>>
    tpu.enqueue_indirect_dma source(%dma_start3A_386 : memref<64x64xbf16, #tpu.memory_space<hbm>>) target(%dma_start3A_380 : memref<128x64xbf16, #tpu.memory_space<vmem>>) offsets(%dma_start3A_383 : memref<128xi32, #tpu.memory_space<vmem>>) semaphore(%arg16 : memref<!tpu.dma_semaphore, #tpu.memory_space<semaphore_mem>>)
    %dma_start3A_387 = arith.constant 3 : i32
    %dma_start3A_388 = arith.constant 384 : i32
    %dma_start3A_389 = arith.constant 0 : i32
    %dma_start3A_390 = tpu.memref_slice %arg10[%dma_start3A_388, %dma_start3A_389] : memref<512x64xbf16, #tpu.memory_space<vmem>> -> memref<128x64xbf16, #tpu.memory_space<vmem>>
    %dma_start3A_391 = arith.constant 0 : i32
    %dma_start3A_392 = tpu.memref_slice %arg12[%dma_start3A_387, %dma_start3A_391] : memref<4x128xi32, #tpu.memory_space<vmem>> -> memref<1x128xi32, #tpu.memory_space<vmem>>
    %dma_start3A_393 = tpu.memref_squeeze %dma_start3A_392 : memref<1x128xi32, #tpu.memory_space<vmem>> -> memref<128xi32, #tpu.memory_space<vmem>>
    %dma_start3A_394 = arith.constant 0 : i32
    %dma_start3A_395 = arith.constant 0 : i32
    %dma_start3A_396 = tpu.memref_slice %arg5[%dma_start3A_394, %dma_start3A_395] : memref<64x64xbf16, #tpu.memory_space<hbm>> -> memref<64x64xbf16, #tpu.memory_space<hbm>>
    tpu.enqueue_indirect_dma source(%dma_start3A_396 : memref<64x64xbf16, #tpu.memory_space<hbm>>) target(%dma_start3A_390 : memref<128x64xbf16, #tpu.memory_space<vmem>>) offsets(%dma_start3A_393 : memref<128xi32, #tpu.memory_space<vmem>>) semaphore(%arg16 : memref<!tpu.dma_semaphore, #tpu.memory_space<semaphore_mem>>)
    %dma_wait3A = arith.constant 0 : i32
    %dma_wait3A_397 = arith.constant 0 : i32
    %dma_wait3A_398 = arith.constant 0 : i32
    %dma_wait3A_399 = tpu.memref_slice %arg9[%dma_wait3A_397, %dma_wait3A_398] : memref<512x64xbf16, #tpu.memory_space<vmem>> -> memref<128x64xbf16, #tpu.memory_space<vmem>>
    %dma_wait3A_400 = arith.constant 0 : i32
    %dma_wait3A_401 = tpu.memref_slice %arg11[%dma_wait3A, %dma_wait3A_400] : memref<4x128xi32, #tpu.memory_space<vmem>> -> memref<1x128xi32, #tpu.memory_space<vmem>>
    %dma_wait3A_402 = tpu.memref_squeeze %dma_wait3A_401 : memref<1x128xi32, #tpu.memory_space<vmem>> -> memref<128xi32, #tpu.memory_space<vmem>>
    %dma_wait3A_403 = arith.constant 0 : i32
    %dma_wait3A_404 = arith.constant 0 : i32
    %dma_wait3A_405 = tpu.memref_slice %arg6[%dma_wait3A_403, %dma_wait3A_404] : memref<256x64xbf16, #tpu.memory_space<hbm>> -> memref<256x64xbf16, #tpu.memory_space<hbm>>
    tpu.wait_indirect_dma semaphore(%arg16 : memref<!tpu.dma_semaphore, #tpu.memory_space<semaphore_mem>>) src(%dma_wait3A_405 : memref<256x64xbf16, #tpu.memory_space<hbm>>) dst(%dma_wait3A_399 : memref<128x64xbf16, #tpu.memory_space<vmem>>)
    %dma_wait3A_406 = arith.constant 1 : i32
    %dma_wait3A_407 = arith.constant 128 : i32
    %dma_wait3A_408 = arith.constant 0 : i32
    %dma_wait3A_409 = tpu.memref_slice %arg9[%dma_wait3A_407, %dma_wait3A_408] : memref<512x64xbf16, #tpu.memory_space<vmem>> -> memref<128x64xbf16, #tpu.memory_space<vmem>>
    %dma_wait3A_410 = arith.constant 0 : i32
    %dma_wait3A_411 = tpu.memref_slice %arg11[%dma_wait3A_406, %dma_wait3A_410] : memref<4x128xi32, #tpu.memory_space<vmem>> -> memref<1x128xi32, #tpu.memory_space<vmem>>
    %dma_wait3A_412 = tpu.memref_squeeze %dma_wait3A_411 : memref<1x128xi32, #tpu.memory_space<vmem>> -> memref<128xi32, #tpu.memory_space<vmem>>
    %dma_wait3A_413 = arith.constant 0 : i32
    %dma_wait3A_414 = arith.constant 0 : i32
    %dma_wait3A_415 = tpu.memref_slice %arg6[%dma_wait3A_413, %dma_wait3A_414] : memref<256x64xbf16, #tpu.memory_space<hbm>> -> memref<256x64xbf16, #tpu.memory_space<hbm>>
    tpu.wait_indirect_dma semaphore(%arg16 : memref<!tpu.dma_semaphore, #tpu.memory_space<semaphore_mem>>) src(%dma_wait3A_415 : memref<256x64xbf16, #tpu.memory_space<hbm>>) dst(%dma_wait3A_409 : memref<128x64xbf16, #tpu.memory_space<vmem>>)
    %dma_wait3A_416 = arith.constant 2 : i32
    %dma_wait3A_417 = arith.constant 256 : i32
    %dma_wait3A_418 = arith.constant 0 : i32
    %dma_wait3A_419 = tpu.memref_slice %arg9[%dma_wait3A_417, %dma_wait3A_418] : memref<512x64xbf16, #tpu.memory_space<vmem>> -> memref<128x64xbf16, #tpu.memory_space<vmem>>
    %dma_wait3A_420 = arith.constant 0 : i32
    %dma_wait3A_421 = tpu.memref_slice %arg11[%dma_wait3A_416, %dma_wait3A_420] : memref<4x128xi32, #tpu.memory_space<vmem>> -> memref<1x128xi32, #tpu.memory_space<vmem>>
    %dma_wait3A_422 = tpu.memref_squeeze %dma_wait3A_421 : memref<1x128xi32, #tpu.memory_space<vmem>> -> memref<128xi32, #tpu.memory_space<vmem>>
    %dma_wait3A_423 = arith.constant 0 : i32
    %dma_wait3A_424 = arith.constant 0 : i32
    %dma_wait3A_425 = tpu.memref_slice %arg6[%dma_wait3A_423, %dma_wait3A_424] : memref<256x64xbf16, #tpu.memory_space<hbm>> -> memref<256x64xbf16, #tpu.memory_space<hbm>>
    tpu.wait_indirect_dma semaphore(%arg16 : memref<!tpu.dma_semaphore, #tpu.memory_space<semaphore_mem>>) src(%dma_wait3A_425 : memref<256x64xbf16, #tpu.memory_space<hbm>>) dst(%dma_wait3A_419 : memref<128x64xbf16, #tpu.memory_space<vmem>>)
    %dma_wait3A_426 = arith.constant 3 : i32
    %dma_wait3A_427 = arith.constant 384 : i32
    %dma_wait3A_428 = arith.constant 0 : i32
    %dma_wait3A_429 = tpu.memref_slice %arg9[%dma_wait3A_427, %dma_wait3A_428] : memref<512x64xbf16, #tpu.memory_space<vmem>> -> memref<128x64xbf16, #tpu.memory_space<vmem>>
    %dma_wait3A_430 = arith.constant 0 : i32
    %dma_wait3A_431 = tpu.memref_slice %arg11[%dma_wait3A_426, %dma_wait3A_430] : memref<4x128xi32, #tpu.memory_space<vmem>> -> memref<1x128xi32, #tpu.memory_space<vmem>>
    %dma_wait3A_432 = tpu.memref_squeeze %dma_wait3A_431 : memref<1x128xi32, #tpu.memory_space<vmem>> -> memref<128xi32, #tpu.memory_space<vmem>>
    %dma_wait3A_433 = arith.constant 0 : i32
    %dma_wait3A_434 = arith.constant 0 : i32
    %dma_wait3A_435 = tpu.memref_slice %arg6[%dma_wait3A_433, %dma_wait3A_434] : memref<256x64xbf16, #tpu.memory_space<hbm>> -> memref<256x64xbf16, #tpu.memory_space<hbm>>
    tpu.wait_indirect_dma semaphore(%arg16 : memref<!tpu.dma_semaphore, #tpu.memory_space<semaphore_mem>>) src(%dma_wait3A_435 : memref<256x64xbf16, #tpu.memory_space<hbm>>) dst(%dma_wait3A_429 : memref<128x64xbf16, #tpu.memory_space<vmem>>)
    %dma_wait3A_436 = arith.constant 0 : i32
    %dma_wait3A_437 = arith.constant 0 : i32
    %dma_wait3A_438 = arith.constant 0 : i32
    %dma_wait3A_439 = tpu.memref_slice %arg10[%dma_wait3A_437, %dma_wait3A_438] : memref<512x64xbf16, #tpu.memory_space<vmem>> -> memref<128x64xbf16, #tpu.memory_space<vmem>>
    %dma_wait3A_440 = arith.constant 0 : i32
    %dma_wait3A_441 = tpu.memref_slice %arg12[%dma_wait3A_436, %dma_wait3A_440] : memref<4x128xi32, #tpu.memory_space<vmem>> -> memref<1x128xi32, #tpu.memory_space<vmem>>
    %dma_wait3A_442 = tpu.memref_squeeze %dma_wait3A_441 : memref<1x128xi32, #tpu.memory_space<vmem>> -> memref<128xi32, #tpu.memory_space<vmem>>
    %dma_wait3A_443 = arith.constant 0 : i32
    %dma_wait3A_444 = arith.constant 0 : i32
    %dma_wait3A_445 = tpu.memref_slice %arg5[%dma_wait3A_443, %dma_wait3A_444] : memref<64x64xbf16, #tpu.memory_space<hbm>> -> memref<64x64xbf16, #tpu.memory_space<hbm>>
    tpu.wait_indirect_dma semaphore(%arg16 : memref<!tpu.dma_semaphore, #tpu.memory_space<semaphore_mem>>) src(%dma_wait3A_445 : memref<64x64xbf16, #tpu.memory_space<hbm>>) dst(%dma_wait3A_439 : memref<128x64xbf16, #tpu.memory_space<vmem>>)
    %dma_wait3A_446 = arith.constant 1 : i32
    %dma_wait3A_447 = arith.constant 128 : i32
    %dma_wait3A_448 = arith.constant 0 : i32
    %dma_wait3A_449 = tpu.memref_slice %arg10[%dma_wait3A_447, %dma_wait3A_448] : memref<512x64xbf16, #tpu.memory_space<vmem>> -> memref<128x64xbf16, #tpu.memory_space<vmem>>
    %dma_wait3A_450 = arith.constant 0 : i32
    %dma_wait3A_451 = tpu.memref_slice %arg12[%dma_wait3A_446, %dma_wait3A_450] : memref<4x128xi32, #tpu.memory_space<vmem>> -> memref<1x128xi32, #tpu.memory_space<vmem>>
    %dma_wait3A_452 = tpu.memref_squeeze %dma_wait3A_451 : memref<1x128xi32, #tpu.memory_space<vmem>> -> memref<128xi32, #tpu.memory_space<vmem>>
    %dma_wait3A_453 = arith.constant 0 : i32
    %dma_wait3A_454 = arith.constant 0 : i32
    %dma_wait3A_455 = tpu.memref_slice %arg5[%dma_wait3A_453, %dma_wait3A_454] : memref<64x64xbf16, #tpu.memory_space<hbm>> -> memref<64x64xbf16, #tpu.memory_space<hbm>>
    tpu.wait_indirect_dma semaphore(%arg16 : memref<!tpu.dma_semaphore, #tpu.memory_space<semaphore_mem>>) src(%dma_wait3A_455 : memref<64x64xbf16, #tpu.memory_space<hbm>>) dst(%dma_wait3A_449 : memref<128x64xbf16, #tpu.memory_space<vmem>>)
    %dma_wait3A_456 = arith.constant 2 : i32
    %dma_wait3A_457 = arith.constant 256 : i32
    %dma_wait3A_458 = arith.constant 0 : i32
    %dma_wait3A_459 = tpu.memref_slice %arg10[%dma_wait3A_457, %dma_wait3A_458] : memref<512x64xbf16, #tpu.memory_space<vmem>> -> memref<128x64xbf16, #tpu.memory_space<vmem>>
    %dma_wait3A_460 = arith.constant 0 : i32
    %dma_wait3A_461 = tpu.memref_slice %arg12[%dma_wait3A_456, %dma_wait3A_460] : memref<4x128xi32, #tpu.memory_space<vmem>> -> memref<1x128xi32, #tpu.memory_space<vmem>>
    %dma_wait3A_462 = tpu.memref_squeeze %dma_wait3A_461 : memref<1x128xi32, #tpu.memory_space<vmem>> -> memref<128xi32, #tpu.memory_space<vmem>>
    %dma_wait3A_463 = arith.constant 0 : i32
    %dma_wait3A_464 = arith.constant 0 : i32
    %dma_wait3A_465 = tpu.memref_slice %arg5[%dma_wait3A_463, %dma_wait3A_464] : memref<64x64xbf16, #tpu.memory_space<hbm>> -> memref<64x64xbf16, #tpu.memory_space<hbm>>
    tpu.wait_indirect_dma semaphore(%arg16 : memref<!tpu.dma_semaphore, #tpu.memory_space<semaphore_mem>>) src(%dma_wait3A_465 : memref<64x64xbf16, #tpu.memory_space<hbm>>) dst(%dma_wait3A_459 : memref<128x64xbf16, #tpu.memory_space<vmem>>)
    %dma_wait3A_466 = arith.constant 3 : i32
    %dma_wait3A_467 = arith.constant 384 : i32
    %dma_wait3A_468 = arith.constant 0 : i32
    %dma_wait3A_469 = tpu.memref_slice %arg10[%dma_wait3A_467, %dma_wait3A_468] : memref<512x64xbf16, #tpu.memory_space<vmem>> -> memref<128x64xbf16, #tpu.memory_space<vmem>>
    %dma_wait3A_470 = arith.constant 0 : i32
    %dma_wait3A_471 = tpu.memref_slice %arg12[%dma_wait3A_466, %dma_wait3A_470] : memref<4x128xi32, #tpu.memory_space<vmem>> -> memref<1x128xi32, #tpu.memory_space<vmem>>
    %dma_wait3A_472 = tpu.memref_squeeze %dma_wait3A_471 : memref<1x128xi32, #tpu.memory_space<vmem>> -> memref<128xi32, #tpu.memory_space<vmem>>
    %dma_wait3A_473 = arith.constant 0 : i32
    %dma_wait3A_474 = arith.constant 0 : i32
    %dma_wait3A_475 = tpu.memref_slice %arg5[%dma_wait3A_473, %dma_wait3A_474] : memref<64x64xbf16, #tpu.memory_space<hbm>> -> memref<64x64xbf16, #tpu.memory_space<hbm>>
    tpu.wait_indirect_dma semaphore(%arg16 : memref<!tpu.dma_semaphore, #tpu.memory_space<semaphore_mem>>) src(%dma_wait3A_475 : memref<64x64xbf16, #tpu.memory_space<hbm>>) dst(%dma_wait3A_469 : memref<128x64xbf16, #tpu.memory_space<vmem>>)
    %iota3A = tpu.iota {dimensions = array<i32: 0>} : vector<16xi32>
    %eq3A = arith.constant 15 : i32
    %eq3A_476 = vector.broadcast %eq3A : i32 to vector<16xi32>
    %eq3A_477 = arith.cmpi eq, %iota3A, %eq3A_476 : vector<16xi32>
    %dma_wait3A_478 = arith.constant 0 : i32
    %dma_wait3A_479 = arith.constant 0 : i32
    %dma_wait3A_480 = tpu.memref_slice %arg8[%dma_wait3A_478, %dma_wait3A_479] : memref<512x64xf32, #tpu.memory_space<vmem>> -> memref<256x64xf32, #tpu.memory_space<vmem>>
    %dma_wait3A_481 = arith.constant 0 : i32
    %dma_wait3A_482 = tpu.memref_slice %arg2[%add3A_6, %dma_wait3A_481] : memref<16384x64xf32, #tpu.memory_space<hbm>> -> memref<256x64xf32, #tpu.memory_space<hbm>>
    %dma_wait3A_483 = arith.constant 0 : i32
    %dma_wait3A_484 = arith.constant 0 : i32
    %dma_wait3A_485 = tpu.memref_slice %arg8[%dma_wait3A_483, %dma_wait3A_484] : memref<512x64xf32, #tpu.memory_space<vmem>> -> memref<256x64xf32, #tpu.memory_space<vmem>>
    %dma_wait3A_486 = arith.constant 0 : i32
    %dma_wait3A_487 = tpu.memref_slice %arg2[%add3A_6, %dma_wait3A_486] : memref<16384x64xf32, #tpu.memory_space<hbm>> -> memref<256x64xf32, #tpu.memory_space<hbm>>
    tpu.wait_dma2 semaphore(%arg15 : memref<!tpu.dma_semaphore, #tpu.memory_space<semaphore_mem>>) src(%dma_wait3A_487 : memref<256x64xf32, #tpu.memory_space<hbm>>) dst(%dma_wait3A_485 : memref<256x64xf32, #tpu.memory_space<vmem>>)
    %parallel_loop3A = arith.constant 0 : i32
    %parallel_loop3A_488 = arith.constant 256 : i32
    %parallel_loop3A_489 = arith.constant 1 : i32
    scf.for %parallel_loop3A_503 = %parallel_loop3A to %parallel_loop3A_488 step %parallel_loop3A_489  : i32 {
      %parallel_loop3A_504 = arith.constant 0.000000e+00 : f32
      %parallel_loop3A_505 = vector.broadcast %parallel_loop3A_504 : f32 to vector<16xf32>
      %parallel_loop3A_506 = arith.constant 0.000000e+00 : f32
      %parallel_loop3A_507 = vector.broadcast %parallel_loop3A_506 : f32 to vector<16xf32>
      %parallel_loop3A_508 = arith.index_cast %parallel_loop3A_503 : i32 to index
      %parallel_loop3A_509 = arith.constant 0 : index
      %parallel_loop3A_510 = tpu.vector_load %arg9[%parallel_loop3A_508, %parallel_loop3A_509] {strides = array<i32>} : memref<512x64xbf16, #tpu.memory_space<vmem>>, vector<32xbf16>,
      %parallel_loop3A_511 = arith.index_cast %parallel_loop3A_503 : i32 to index
      %parallel_loop3A_512 = arith.constant 0 : index
      %parallel_loop3A_513 = tpu.vector_load %arg10[%parallel_loop3A_511, %parallel_loop3A_512] {strides = array<i32>} : memref<512x64xbf16, #tpu.memory_space<vmem>>, vector<32xbf16>,
      %parallel_loop3A_514 = arith.addf %parallel_loop3A_510, %parallel_loop3A_513 : vector<32xbf16>
      %parallel_loop3A_515 = vector.bitcast %parallel_loop3A_514 : vector<32xbf16> to vector<16xi32>
      %parallel_loop3A_516 = arith.constant 16 : i32
      %parallel_loop3A_517 = vector.broadcast %parallel_loop3A_516 : i32 to vector<16xi32>
      %parallel_loop3A_518 = arith.shli %parallel_loop3A_515, %parallel_loop3A_517 : vector<16xi32>
      %parallel_loop3A_519 = vector.bitcast %parallel_loop3A_518 : vector<16xi32> to vector<16xf32>
      %parallel_loop3A_520 = arith.constant -65536 : i32
      %parallel_loop3A_521 = vector.broadcast %parallel_loop3A_520 : i32 to vector<16xi32>
      %parallel_loop3A_522 = arith.andi %parallel_loop3A_515, %parallel_loop3A_521 : vector<16xi32>
      %parallel_loop3A_523 = vector.bitcast %parallel_loop3A_522 : vector<16xi32> to vector<16xf32>
      %parallel_loop3A_524 = arith.index_cast %parallel_loop3A_503 : i32 to index
      %parallel_loop3A_525 = arith.constant 0 : index
      %parallel_loop3A_526 = tpu.vector_load %arg8[%parallel_loop3A_524, %parallel_loop3A_525] {strides = array<i32>} : memref<512x64xf32, #tpu.memory_space<vmem>>, vector<16xf32>,
      %parallel_loop3A_527 = arith.mulf %parallel_loop3A_519, %parallel_loop3A_526 : vector<16xf32>
      %parallel_loop3A_528 = arith.addf %parallel_loop3A_505, %parallel_loop3A_527 : vector<16xf32>
      %parallel_loop3A_529 = arith.index_cast %parallel_loop3A_503 : i32 to index
      %parallel_loop3A_530 = arith.constant 16 : index
      %parallel_loop3A_531 = tpu.vector_load %arg8[%parallel_loop3A_529, %parallel_loop3A_530] {strides = array<i32>} : memref<512x64xf32, #tpu.memory_space<vmem>>, vector<16xf32>,
      %parallel_loop3A_532 = arith.mulf %parallel_loop3A_523, %parallel_loop3A_531 : vector<16xf32>
      %parallel_loop3A_533 = arith.addf %parallel_loop3A_507, %parallel_loop3A_532 : vector<16xf32>
      %parallel_loop3A_534 = arith.index_cast %parallel_loop3A_503 : i32 to index
      %parallel_loop3A_535 = arith.constant 32 : index
      %parallel_loop3A_536 = tpu.vector_load %arg9[%parallel_loop3A_534, %parallel_loop3A_535] {strides = array<i32>} : memref<512x64xbf16, #tpu.memory_space<vmem>>, vector<32xbf16>,
      %parallel_loop3A_537 = arith.index_cast %parallel_loop3A_503 : i32 to index
      %parallel_loop3A_538 = arith.constant 32 : index
      %parallel_loop3A_539 = tpu.vector_load %arg10[%parallel_loop3A_537, %parallel_loop3A_538] {strides = array<i32>} : memref<512x64xbf16, #tpu.memory_space<vmem>>, vector<32xbf16>,
      %parallel_loop3A_540 = arith.addf %parallel_loop3A_536, %parallel_loop3A_539 : vector<32xbf16>
      %parallel_loop3A_541 = vector.bitcast %parallel_loop3A_540 : vector<32xbf16> to vector<16xi32>
      %parallel_loop3A_542 = arith.constant 16 : i32
      %parallel_loop3A_543 = vector.broadcast %parallel_loop3A_542 : i32 to vector<16xi32>
      %parallel_loop3A_544 = arith.shli %parallel_loop3A_541, %parallel_loop3A_543 : vector<16xi32>
      %parallel_loop3A_545 = vector.bitcast %parallel_loop3A_544 : vector<16xi32> to vector<16xf32>
      %parallel_loop3A_546 = arith.constant -65536 : i32
      %parallel_loop3A_547 = vector.broadcast %parallel_loop3A_546 : i32 to vector<16xi32>
      %parallel_loop3A_548 = arith.andi %parallel_loop3A_541, %parallel_loop3A_547 : vector<16xi32>
      %parallel_loop3A_549 = vector.bitcast %parallel_loop3A_548 : vector<16xi32> to vector<16xf32>
      %parallel_loop3A_550 = arith.index_cast %parallel_loop3A_503 : i32 to index
      %parallel_loop3A_551 = arith.constant 32 : index
      %parallel_loop3A_552 = tpu.vector_load %arg8[%parallel_loop3A_550, %parallel_loop3A_551] {strides = array<i32>} : memref<512x64xf32, #tpu.memory_space<vmem>>, vector<16xf32>,
      %parallel_loop3A_553 = arith.mulf %parallel_loop3A_545, %parallel_loop3A_552 : vector<16xf32>
      %parallel_loop3A_554 = arith.addf %parallel_loop3A_528, %parallel_loop3A_553 : vector<16xf32>
      %parallel_loop3A_555 = arith.index_cast %parallel_loop3A_503 : i32 to index
      %parallel_loop3A_556 = arith.constant 48 : index
      %parallel_loop3A_557 = tpu.vector_load %arg8[%parallel_loop3A_555, %parallel_loop3A_556] {strides = array<i32>} : memref<512x64xf32, #tpu.memory_space<vmem>>, vector<16xf32>,
      %parallel_loop3A_558 = arith.mulf %parallel_loop3A_549, %parallel_loop3A_557 : vector<16xf32>
      %parallel_loop3A_559 = arith.addf %parallel_loop3A_533, %parallel_loop3A_558 : vector<16xf32>
      %parallel_loop3A_560 = arith.addf %parallel_loop3A_554, %parallel_loop3A_559 : vector<16xf32>
      %parallel_loop3A_561 = arith.constant true
      %parallel_loop3A_562 = vector.broadcast %parallel_loop3A_561 : i1 to vector<16xi1>
      %parallel_loop3A_563 = tpu.scan <sum>, %parallel_loop3A_560 masked %parallel_loop3A_562 : vector<16xf32>, vector<16xi1> -> vector<16xf32>
      %parallel_loop3A_564 = vector.broadcast %parallel_loop3A_503 : i32 to vector<16xi32>
      tpu.vector_store_idx %arg14[%parallel_loop3A_564], %parallel_loop3A_563 masked %eq3A_477 : memref<512xf32, #tpu.memory_space<vmem>>[vector<16xi32>], vector<16xf32>, vector<16xi1>
    } {sc.loop_unroll_factor = 8 : i64, sc.parallel_access}
    %dma_wait3A_490 = arith.constant 256 : i32
    %dma_wait3A_491 = arith.constant 0 : i32
    %dma_wait3A_492 = tpu.memref_slice %arg8[%dma_wait3A_490, %dma_wait3A_491] : memref<512x64xf32, #tpu.memory_space<vmem>> -> memref<256x64xf32, #tpu.memory_space<vmem>>
    %dma_wait3A_493 = arith.constant 0 : i32
    %dma_wait3A_494 = tpu.memref_slice %arg2[%add3A_19, %dma_wait3A_493] : memref<16384x64xf32, #tpu.memory_space<hbm>> -> memref<256x64xf32, #tpu.memory_space<hbm>>
    %dma_wait3A_495 = arith.constant 256 : i32
    %dma_wait3A_496 = arith.constant 0 : i32
    %dma_wait3A_497 = tpu.memref_slice %arg8[%dma_wait3A_495, %dma_wait3A_496] : memref<512x64xf32, #tpu.memory_space<vmem>> -> memref<256x64xf32, #tpu.memory_space<vmem>>
    %dma_wait3A_498 = arith.constant 0 : i32
    %dma_wait3A_499 = tpu.memref_slice %arg2[%add3A_19, %dma_wait3A_498] : memref<16384x64xf32, #tpu.memory_space<hbm>> -> memref<256x64xf32, #tpu.memory_space<hbm>>
    tpu.wait_dma2 semaphore(%arg15 : memref<!tpu.dma_semaphore, #tpu.memory_space<semaphore_mem>>) src(%dma_wait3A_499 : memref<256x64xf32, #tpu.memory_space<hbm>>) dst(%dma_wait3A_497 : memref<256x64xf32, #tpu.memory_space<vmem>>)
    %parallel_loop3A_500 = arith.constant 256 : i32
    %parallel_loop3A_501 = arith.constant 512 : i32
    %parallel_loop3A_502 = arith.constant 1 : i32
    scf.for %parallel_loop3A_503 = %parallel_loop3A_500 to %parallel_loop3A_501 step %parallel_loop3A_502  : i32 {
      %parallel_loop3A_504 = arith.constant 0.000000e+00 : f32
      %parallel_loop3A_505 = vector.broadcast %parallel_loop3A_504 : f32 to vector<16xf32>
      %parallel_loop3A_506 = arith.constant 0.000000e+00 : f32
      %parallel_loop3A_507 = vector.broadcast %parallel_loop3A_506 : f32 to vector<16xf32>
      %parallel_loop3A_508 = arith.index_cast %parallel_loop3A_503 : i32 to index
      %parallel_loop3A_509 = arith.constant 0 : index
      %parallel_loop3A_510 = tpu.vector_load %arg9[%parallel_loop3A_508, %parallel_loop3A_509] {strides = array<i32>} : memref<512x64xbf16, #tpu.memory_space<vmem>>, vector<32xbf16>,
      %parallel_loop3A_511 = arith.index_cast %parallel_loop3A_503 : i32 to index
      %parallel_loop3A_512 = arith.constant 0 : index
      %parallel_loop3A_513 = tpu.vector_load %arg10[%parallel_loop3A_511, %parallel_loop3A_512] {strides = array<i32>} : memref<512x64xbf16, #tpu.memory_space<vmem>>, vector<32xbf16>,
      %parallel_loop3A_514 = arith.addf %parallel_loop3A_510, %parallel_loop3A_513 : vector<32xbf16>
      %parallel_loop3A_515 = vector.bitcast %parallel_loop3A_514 : vector<32xbf16> to vector<16xi32>
      %parallel_loop3A_516 = arith.constant 16 : i32
      %parallel_loop3A_517 = vector.broadcast %parallel_loop3A_516 : i32 to vector<16xi32>
      %parallel_loop3A_518 = arith.shli %parallel_loop3A_515, %parallel_loop3A_517 : vector<16xi32>
      %parallel_loop3A_519 = vector.bitcast %parallel_loop3A_518 : vector<16xi32> to vector<16xf32>
      %parallel_loop3A_520 = arith.constant -65536 : i32
      %parallel_loop3A_521 = vector.broadcast %parallel_loop3A_520 : i32 to vector<16xi32>
      %parallel_loop3A_522 = arith.andi %parallel_loop3A_515, %parallel_loop3A_521 : vector<16xi32>
      %parallel_loop3A_523 = vector.bitcast %parallel_loop3A_522 : vector<16xi32> to vector<16xf32>
      %parallel_loop3A_524 = arith.index_cast %parallel_loop3A_503 : i32 to index
      %parallel_loop3A_525 = arith.constant 0 : index
      %parallel_loop3A_526 = tpu.vector_load %arg8[%parallel_loop3A_524, %parallel_loop3A_525] {strides = array<i32>} : memref<512x64xf32, #tpu.memory_space<vmem>>, vector<16xf32>,
      %parallel_loop3A_527 = arith.mulf %parallel_loop3A_519, %parallel_loop3A_526 : vector<16xf32>
      %parallel_loop3A_528 = arith.addf %parallel_loop3A_505, %parallel_loop3A_527 : vector<16xf32>
      %parallel_loop3A_529 = arith.index_cast %parallel_loop3A_503 : i32 to index
      %parallel_loop3A_530 = arith.constant 16 : index
      %parallel_loop3A_531 = tpu.vector_load %arg8[%parallel_loop3A_529, %parallel_loop3A_530] {strides = array<i32>} : memref<512x64xf32, #tpu.memory_space<vmem>>, vector<16xf32>,
      %parallel_loop3A_532 = arith.mulf %parallel_loop3A_523, %parallel_loop3A_531 : vector<16xf32>
      %parallel_loop3A_533 = arith.addf %parallel_loop3A_507, %parallel_loop3A_532 : vector<16xf32>
      %parallel_loop3A_534 = arith.index_cast %parallel_loop3A_503 : i32 to index
      %parallel_loop3A_535 = arith.constant 32 : index
      %parallel_loop3A_536 = tpu.vector_load %arg9[%parallel_loop3A_534, %parallel_loop3A_535] {strides = array<i32>} : memref<512x64xbf16, #tpu.memory_space<vmem>>, vector<32xbf16>,
      %parallel_loop3A_537 = arith.index_cast %parallel_loop3A_503 : i32 to index
      %parallel_loop3A_538 = arith.constant 32 : index
      %parallel_loop3A_539 = tpu.vector_load %arg10[%parallel_loop3A_537, %parallel_loop3A_538] {strides = array<i32>} : memref<512x64xbf16, #tpu.memory_space<vmem>>, vector<32xbf16>,
      %parallel_loop3A_540 = arith.addf %parallel_loop3A_536, %parallel_loop3A_539 : vector<32xbf16>
      %parallel_loop3A_541 = vector.bitcast %parallel_loop3A_540 : vector<32xbf16> to vector<16xi32>
      %parallel_loop3A_542 = arith.constant 16 : i32
      %parallel_loop3A_543 = vector.broadcast %parallel_loop3A_542 : i32 to vector<16xi32>
      %parallel_loop3A_544 = arith.shli %parallel_loop3A_541, %parallel_loop3A_543 : vector<16xi32>
      %parallel_loop3A_545 = vector.bitcast %parallel_loop3A_544 : vector<16xi32> to vector<16xf32>
      %parallel_loop3A_546 = arith.constant -65536 : i32
      %parallel_loop3A_547 = vector.broadcast %parallel_loop3A_546 : i32 to vector<16xi32>
      %parallel_loop3A_548 = arith.andi %parallel_loop3A_541, %parallel_loop3A_547 : vector<16xi32>
      %parallel_loop3A_549 = vector.bitcast %parallel_loop3A_548 : vector<16xi32> to vector<16xf32>
      %parallel_loop3A_550 = arith.index_cast %parallel_loop3A_503 : i32 to index
      %parallel_loop3A_551 = arith.constant 32 : index
      %parallel_loop3A_552 = tpu.vector_load %arg8[%parallel_loop3A_550, %parallel_loop3A_551] {strides = array<i32>} : memref<512x64xf32, #tpu.memory_space<vmem>>, vector<16xf32>,
      %parallel_loop3A_553 = arith.mulf %parallel_loop3A_545, %parallel_loop3A_552 : vector<16xf32>
      %parallel_loop3A_554 = arith.addf %parallel_loop3A_528, %parallel_loop3A_553 : vector<16xf32>
      %parallel_loop3A_555 = arith.index_cast %parallel_loop3A_503 : i32 to index
      %parallel_loop3A_556 = arith.constant 48 : index
      %parallel_loop3A_557 = tpu.vector_load %arg8[%parallel_loop3A_555, %parallel_loop3A_556] {strides = array<i32>} : memref<512x64xf32, #tpu.memory_space<vmem>>, vector<16xf32>,
      %parallel_loop3A_558 = arith.mulf %parallel_loop3A_549, %parallel_loop3A_557 : vector<16xf32>
      %parallel_loop3A_559 = arith.addf %parallel_loop3A_533, %parallel_loop3A_558 : vector<16xf32>
      %parallel_loop3A_560 = arith.addf %parallel_loop3A_554, %parallel_loop3A_559 : vector<16xf32>
      %parallel_loop3A_561 = arith.constant true
      %parallel_loop3A_562 = vector.broadcast %parallel_loop3A_561 : i1 to vector<16xi1>
      %parallel_loop3A_563 = tpu.scan <sum>, %parallel_loop3A_560 masked %parallel_loop3A_562 : vector<16xf32>, vector<16xi1> -> vector<16xf32>
      %parallel_loop3A_564 = vector.broadcast %parallel_loop3A_503 : i32 to vector<16xi32>
      tpu.vector_store_idx %arg14[%parallel_loop3A_564], %parallel_loop3A_563 masked %eq3A_477 : memref<512xf32, #tpu.memory_space<vmem>>[vector<16xi32>], vector<16xf32>, vector<16xi1>
    } {sc.loop_unroll_factor = 8 : i64, sc.parallel_access}
    "tpu.region"() ({
      %run_scoped3A = tpu.sem_alloc : memref<!tpu.dma_semaphore, #tpu.memory_space<semaphore_mem>>
      %dma_start3A_503 = tpu.memref_slice %arg7[%mul3A_2] : memref<16384xf32, #tpu.memory_space<hbm>> -> memref<512xf32, #tpu.memory_space<hbm>>
      %dma_start3A_504 = tpu.memref_slice %arg7[%mul3A_2] : memref<16384xf32, #tpu.memory_space<hbm>> -> memref<512xf32, #tpu.memory_space<hbm>>
      tpu.enqueue_dma source(%arg14 : memref<512xf32, #tpu.memory_space<vmem>>) target(%dma_start3A_504 : memref<512xf32, #tpu.memory_space<hbm>>) target_semaphore(%run_scoped3A : memref<!tpu.dma_semaphore, #tpu.memory_space<semaphore_mem>>)
      %dma_wait3A_505 = tpu.memref_slice %arg7[%mul3A_2] : memref<16384xf32, #tpu.memory_space<hbm>> -> memref<512xf32, #tpu.memory_space<hbm>>
      %dma_wait3A_506 = tpu.memref_slice %arg7[%mul3A_2] : memref<16384xf32, #tpu.memory_space<hbm>> -> memref<512xf32, #tpu.memory_space<hbm>>
      tpu.wait_dma2 semaphore(%run_scoped3A : memref<!tpu.dma_semaphore, #tpu.memory_space<semaphore_mem>>) src(%arg14 : memref<512xf32, #tpu.memory_space<vmem>>) dst(%dma_wait3A_506 : memref<512xf32, #tpu.memory_space<hbm>>)
      tpu.yield
    }) : () -> ()
    return
  }
}

</mosaic_0001>

<sc_bundles>
// kernel: kernel.3.cloned.1.call-start
scs
__scs_entry_jumppad:
0x0: {  	(pc) =	sbr.rel $0x88, $3  }
0x1: {  	(tag) =	ssettag $0x0;
	lr =	simm.s32 $0x1  }
0x2: {  	[smem:$0x3F9C] =	sst lr;
	_ =	strace $0xD0000000  }
0x3: {  	_ = 	snop  }
0x4: {  	_ = 	snop  }
0x5: {  	_ = 	snop  }
0x6: {  	_ = 	snop  }
0x7: {  	_ = 	snop  }
__scs_overlays_trampoline_lowered:
0x8: {  	[smem:$0x3FAB] =	sst s0  }
0x9: {  	[smem:$0x3FAC] =	sst s1  }
0xa: {  	[smem:$0x3FAD] =	sst s2  }
0xb: {  	[smem:$0x3FAE] =	sst s3  }
0xc: {  	[smem:$0x3FAF] =	sst s4  }
0xd: {  	[smem:$0x3FB0] =	sst s5  }
0xe: {  	[smem:$0x3FB1] =	sst s6  }
0xf: {  	[smem:$0x3FB2] =	sst s7  }
0x10: {  	[smem:$0x3FB3] =	sst s8  }
0x11: {  	[smem:$0x3FB4] =	sst s9;
	s0 =	simm.s32 @!p0 $0x0  }
0x12: {  	s1 =	sld [smem:$0x3F9A];
	s0 =	simm.s32 @p0 $0x1  }
0x13: {  	[smem:$0x3FB5] =	sst s0;
	s0 =	simm.s32 @!p1 $0x0  }
0x14: {  	s2 =	sld [smem:$0x3F99];
	s0 =	simm.s32 @p1 $0x1  }
0x15: {  	[smem:$0x3FB6] =	sst s0;
	s0 =	simm.s32 @!p2 $0x0  }
0x16: {  	s3 =	sld [smem:$0x3FDB];
	s0 =	simm.s32 @p2 $0x1  }
0x17: {  	s4 =	simm.s32 $0x1BF5;
	[smem:$0x3FB8] =	sst s0  }
0x18: {  	s0 =	sld [smem:$0x3F9B];
	_ =	swait.ge [sflag:s4], $0x0  }
0x19: {  	s7 =	sld [smem:$0x3F9C]  }
0x1a: {  	s8 =	sadd.s32 $0xFFFFE003, lr  }
0x1b: {  	s9 =	sadd.s32 $0xFFFFFEF7, lr;
	s5 =	simm.s32 $0xFFFFFFFF;
	p2 =	slt.u32 s8, $0xFFFFF086  }
0x1c: {  	p1 =	slt.u32 s9, $0xF7A;
	s5 =	simm.s32 @!p2 $0x0  }
0x1d: {  	s5 =	simm.s32 @p1 $0x1;
	p0 =	seq.s32 s7, s2  }
0x1e: {  	s7 =	smul.u32 @!p0 $0xF7A, s2;
	p2 =	seq.s32 @!p0 s5, $0x0  }
0x1f: {  	s9 =	smul.u32 $0xF7A, s1;
	s8 =	simm.s32 @!p0 $0x1BF5;
	p2 =	por !p2, p0  }
0x20: {  	[sflag:s8] =	ssyncset.s32 @!p0 $0xFFFFF086;
	s6 =	sadd.s32 @!p0 s3, s7;
	s7 =	simm.s32 @!p0 $0x108  }
0x21: {  	s3 =	sadd.s32 s3, s9;
	s6 =	sadd.s32 @!p0 $0x88, s6;
	s7 =	simm.s32 @p2 $0x1082  }
0x22: {  	[simem:s7], [sflag:s8] =	dma.local @!p0 [hbm:s6], $0xF7A  }
0x23: {  	s9 =	sor.u32 $0xD0000000, s2;
	s6 =	simm.s32 $0x108;
	_ =	swait.ge @!p0 [sflag:s8], $0x0  }
0x24: {  	s3 =	sadd.s32 $0x88, s3;
	s6 =	simm.s32 @!p1 $0x1082;
	[sflag:s4] =	ssyncset.s32 $0xFFFFF086  }
0x25: {  	[simem:s6], [sflag:s4] =	dma.local [hbm:s3], $0xF7A  }
0x26: {  	[smem:$0x3F9C] =	sst s1;
	(tag) =	ssettag s2;
	_ =	strace s9  }
0x27: {  	s1 =	sld [smem:$0x3FAC]  }
0x28: {  	s2 =	sld [smem:$0x3FAD]  }
0x29: {  	s4 =	sld [smem:$0x3FAF]  }
0x2a: {  	p0 =	seq.s32 s5, $0x0;
	s5 =	sld [smem:$0x3FB0]  }
0x2b: {  	s6 =	sld [smem:$0x3FB1]  }
0x2c: {  	s7 =	sld [smem:$0x3FB2]  }
0x2d: {  	s3 =	simm.s32 $0x108;
	s8 =	sld [smem:$0x3FB3]  }
0x2e: {  	s3 =	simm.s32 @!p0 $0x1082;
	s9 =	sld [smem:$0x3FB4]  }
0x2f: {  	lr =	sadd.s32 s0, s3;
	s0 =	sld [smem:$0x3FAB]  }
0x30: {  	s3 =	sld [smem:$0x3FAE]  }
0x31: {  	[smem:$0x3FB7] =	sst s10  }
0x32: {  	s10 =	sld [smem:$0x3FB5];
	_ =	sdelay $0x3  }
0x33: {  	p0 =	seq.s32 s10, $0x1;
	s10 =	sld [smem:$0x3FB7];
	_ =	sdelay $0x3  }
0x34: {  	[smem:$0x3FB7] =	sst s10  }
0x35: {  	s10 =	sld [smem:$0x3FB6];
	_ =	sdelay $0x3  }
0x36: {  	p1 =	seq.s32 s10, $0x1;
	s10 =	sld [smem:$0x3FB7];
	_ =	sdelay $0x3  }
0x37: {  	[smem:$0x3FB7] =	sst s10  }
0x38: {  	s10 =	sld [smem:$0x3FB8]  }
0x39: {  	_ = 	snop;
	(pc) =	sbr.ind lr, $3  }
0x3a: {  	_ = 	snop  }
0x3b: {  	_ = 	snop  }
0x3c: {  	p2 =	seq.s32 s10, $0x1;
	s10 =	sld [smem:$0x3FB7]  }
0x3d: {  	_ =	shalt  }
0x3e: {  	_ =	shalt  }
0x3f: {  	_ =	shalt  }
0x40: {  	_ =	shalt  }
0x41: {  	_ =	shalt  }
0x42: {  	_ =	shalt  }
0x43: {  	_ =	shalt  }
0x44: {  	_ =	shalt  }
0x45: {  	_ =	shalt  }
0x46: {  	_ =	shalt  }
0x47: {  	_ =	shalt  }
0x48: {  	_ =	shalt  }
0x49: {  	_ =	shalt  }
0x4a: {  	_ =	shalt  }
0x4b: {  	_ =	shalt  }
0x4c: {  	_ =	shalt  }
0x4d: {  	_ =	shalt  }
0x4e: {  	_ =	shalt  }
0x4f: {  	_ =	shalt  }
0x50: {  	_ =	shalt  }
0x51: {  	_ =	shalt  }
0x52: {  	_ =	shalt  }
0x53: {  	_ =	shalt  }
0x54: {  	_ =	shalt  }
0x55: {  	_ =	shalt  }
0x56: {  	_ =	shalt  }
0x57: {  	_ =	shalt  }
0x58: {  	_ =	shalt  }
0x59: {  	_ =	shalt  }
0x5a: {  	_ =	shalt  }
0x5b: {  	_ =	shalt  }
0x5c: {  	_ =	shalt  }
0x5d: {  	_ =	shalt  }
0x5e: {  	_ =	shalt  }
0x5f: {  	_ =	shalt  }
0x60: {  	_ =	shalt  }
0x61: {  	_ =	shalt  }
0x62: {  	_ =	shalt  }
0x63: {  	_ =	shalt  }
0x64: {  	_ =	shalt  }
0x65: {  	_ =	shalt  }
0x66: {  	_ =	shalt  }
0x67: {  	_ =	shalt  }
0x68: {  	_ =	shalt  }
0x69: {  	_ =	shalt  }
0x6a: {  	_ =	shalt  }
0x6b: {  	_ =	shalt  }
0x6c: {  	_ =	shalt  }
0x6d: {  	_ =	shalt  }
0x6e: {  	_ =	shalt  }
0x6f: {  	_ =	shalt  }
0x70: {  	_ =	shalt  }
0x71: {  	_ =	shalt  }
0x72: {  	_ =	shalt  }
0x73: {  	_ =	shalt  }
0x74: {  	_ =	shalt  }
0x75: {  	_ =	shalt  }
0x76: {  	_ =	shalt  }
0x77: {  	_ =	shalt  }
0x78: {  	_ =	shalt  }
0x79: {  	_ =	shalt  }
0x7a: {  	_ =	shalt  }
0x7b: {  	_ =	shalt  }
0x7c: {  	_ =	shalt  }
0x7d: {  	_ =	shalt  }
0x7e: {  	_ =	shalt  }
0x7f: {  	_ =	shalt  }
0x80: {  	_ =	shalt  }
0x81: {  	_ =	shalt  }
0x82: {  	_ =	shalt  }
0x83: {  	_ =	shalt  }
0x84: {  	_ =	shalt  }
0x85: {  	_ =	shalt  }
0x86: {  	_ =	shalt  }
0x87: {  	_ =	shalt  }
.Lfunc_end0:
.L_simem_size_0:
called_computation_lowered:
.L_overlay_start_0:
0x88: {  	s2 =	sld [smem:$0x3FD9]  }
0x89: {  	s3 =	sld [smem:$0x3FFE];
	_ =	sdelay $0x1  }
0x8a: {  	s1 =	srdreg.scid  }
0x8b: {  	s0 =	sand.u32 $0x1, s1  }
0x8c: {  	s17 =	sshll.u32 s0, $0xA;
	s2 =	sadd.s32 s3, s2  }
0x8d: {  	s2 =	sadd.s32 s2, s17  }
0x8e: {  	[smem:$0x3FC3] =	sst s2  }
0x8f: {  	_ = 	snop  }
0x90: {  	s2 =	sld [smem:$0x3FC8]  }
0x91: {  	s18 =	sld [smem:$0x3FC7]  }
0x92: {  	s4 =	sld [smem:$0x3FD0];
	(tm) =	ssettm $0x1  }
0x93: {  	s5 =	sld [smem:$0x3FFB];
	_ =	sdelay $0x3  }
0x94: {  	_ =	strace s5  }
0x95: {  	s5 =	sld [smem:$0x3FFC];
	_ =	sdelay $0x3  }
0x96: {  	_ =	strace s5  }
0x97: {  	s5 =	sld [smem:$0x3FFD];
	_ =	sdelay $0x3  }
0x98: {  	_ =	strace s5  }
0x99: {  	_ =	strace $0x8FFFFFFF  }
0x9a: {  	s19 =	sld [smem:$0x3FDB];
	_ =	sdelay $0x1  }
0x9b: {  	s6 =	simm.s32 $_scs_section_size  }
0x9c: {  	s7 =	simm.s32 $_size__tile_overlayer_lowered;
	s8 =	simm.s32 $_tile_overlayer_lowered  }
0x9d: {  	s22 =	simm.s32 $0x1BFF;
	s21 =	sshll.u32 s8, $0x1;
	s5 =	sadd.s32 s6, s19  }
0x9e: {  	s9 =	simm.s32 $0x0;
	s20 =	sshll.u32 s7, $0x1;
	s7 =	sadd.s32 s21, s5  }
0x9f: {  	[timem:s9], [sflag:s22] =	dma.local [hbm:s7], s20  }
0xa0: {  	_ =	swait.ge [sflag:s22], s20  }
0xa1: {  	s6 =	ssub.s32 $0x0, s20;
	[sflag:s22] =	ssyncset.done $0x0  }
0xa2: {  	[sflag:s22] =	ssyncadd.s32 s6;
	_ =	sdelay $0x1  }
0xa3: {  	s23 =	simm.s32 $0x1B8B  }
0xa4: {  	_ =	swait.ge [sflag:s23], $0x1  }
0xa5: {  	[sflag:s23] =	ssyncset.done $0x0  }
0xa6: {  	s25 =	simm.s32 $0x1B8E;
	s24 =	sld [smem:$0x3FFE];
	[sflag:s23] =	ssyncadd.s32 $0xFFFFFFFF  }
0xa7: {  	s26 =	simm.s32 $execute0_lowered;
	[smem:$0x3FD2] =	sst s25  }
0xa8: {  	s7 =	sshll.u32 s26, $0x1;
	_ =	strace $0x80000046;
	[dreg:$0x1] =	wrdreg $0xFFFFFFFF  }
0xa9: {  	s28 =	simm.s32 $_size_execute0_lowered;
	s5 =	sadd.s32 s5, s7;
	[dreg:$0x0] =	wrdreg $0x0  }
0xaa: {  	s7 =	sshll.u32 s28, $0x1;
	[dreg:$0x2] =	wrdreg s5  }
0xab: {  	[dreg:$0x3] =	wrdreg s7  }
0xac: {  	[dreg:$0x4] =	wrdreg $0xC0  }
0xad: {  	_ =	task [dreg:s9], $0x5FFFF  }
0xae: {  	[dreg:$0x1] =	wrdreg $0xFFFFFFFF  }
0xaf: {  	[dreg:$0x0] =	wrdreg $0x60  }
0xb0: {  	[dreg:$0x2] =	wrdreg s24  }
0xb1: {  	[dreg:$0x3] =	wrdreg s2  }
0xb2: {  	[dreg:$0x4] =	wrdreg s18  }
0xb3: {  	[dreg:$0x5] =	wrdreg s4  }
0xb4: {  	[dreg:$0x6] =	wrdreg $0x9  }
0xb5: {  	_ =	task.clear_ibuf [dreg:s9], $0x7FFFF;
	_ =	strace $0x90000046  }
0xb6: {  	s29 =	simm.s32 $0x9;
	_ =	strace $0x80000048  }
0xb7: {  	_ =	swait.ge [sflag:s29], $0x1  }
0xb8: {  	[sflag:s29] =	ssyncadd.s32 $0xFFFFFFFF  }
0xb9: {  	_ =	strace $0x90000048  }
0xba: {  	_ =	sfence  }
0xbb: {  	s30 =	sld [smem:$0x0];
	_ =	sdelay $0x2  }
0xbc: {  	s31 =	sshll.u32 s1, $0xD;
	s1 =	sshrl.u32 s1, $0x2  }
0xbd: {  	s3 =	sand.u32 $0x4000, s31;
	s1 =	sadd.s32 s1, s30  }
0xbe: {  	s0 =	sor.u32 s3, s0;
	s1 =	sshll.u32 s1, $0x11  }
0xbf: {  	s0 =	sor.u32 s1, s0  }
0xc0: {  	s0 =	sadd.s32 $0x8F2B, s0  }
0xc1: {  	[sflag:s0] =	ssyncadd.remote.s32 $0x1  }
0xc2: {  	_ =	sfence.sel $0xFFFF  }
0xc3: {  	[dreg:$0x0] =	wrdreg $0xFFFFFFFF;
	(pc) =	sbr.abs _section_cstart, $3  }
0xc4: {  	[dreg:$0x1] =	wrdreg $0xFFFFFFFF  }
0xc5: {  	_ =	task.clear_ibuf [dreg:s9], $0x2FFFF;
	_ =	strace $0x9FFFFFFF  }
0xc6: {  	(tm) =	ssettm $0x7FFFFFFF  }
0xc7: {  	_ =	shalt  }
tec
execute0_lowered:
.L_overlay_start_1:
0x0: {  	(tag) =	ssettag $0x1  }
0x1: {  	s0 =	rddreg [dreg:$0x0]  }
0x2: {  	s1 =	rddreg [dreg:$0x1];
	s2 =	srdreg.scid  }
0x3: {  	s3 =	stileid.u32;
	s9 =	rddreg [dreg:$0x3];
	s12 =	simm.s32 $0x10000  }
0x4: {  	s13 =	simm.s32 $0x3;
	s14 =	simm.s32 $0x10400;
	s15 =	simm.s32 $0x80  }
0x5: {  	s24 =	simm.s32 $0xC000;
	s28 =	simm.s32 $0x10300;
	s29 =	simm.s32 $0xE000  }
0x6: {  	s30 =	simm.s32 $0x10380;
	s31 =	simm.s32 $0xF000;
	s11 =	simm.s32 $0x0  }
0x7: {  	s2 =	sand.u32 $0x1, s2;
	s4 =	sshll.u32 s3, $0x1;
	s3 =	simm.s32 $0x0  }
0x8: {  	s5 =	sadd.s32 $0x20800, s0;
	s8 =	sor.u32 s2, s4;
	[smem:$0x7FF] =	sst s3  }
0x9: {  	s2 =	ssub.s32 $0x2, s2;
	s4 =	sshll.u32 s8, $0xC;
	_ =	strace $0x80000047  }
0xa: {  	s6 =	sshrl.u32 s2, $0x1;
	s26 =	sshll.u32 s8, $0x6;
	s7 =	sadd.s32 s4, s0  }
0xb: {  	s4 =	sadd.s32 $0x20C00, s0;
	s25 =	ssub.s32 s2, s6;
	s8 =	sadd.s32 s1, s26  }
0xc: {  	s9 =	sadd.s32 s9, s26;
	s26 =	simm.s32 $0xD000;
	s1 =	simm.s32 $0x2  }
0xd: {  	v0 =	vimm.s32 $0x0;
	vm0 =	vcmask $0x300;
	s0 =	simm.s32 $0x1;
	s2 =	simm.s32 $0x10500;
	s6 =	sadd.s32 $0x800, s7  }
0xe: {  	v0 =	vsel vm0, $0x3, v0;
	vm0 =	vcmask $0x3F3C;
	s7 =	sadd.s32 $0x1000, s7;
	s10 =	smax.u32 s25, $0x1;
	s25 =	simm.s32 $0x10280  }
.LBB2_1:
0xf: {  	[tilespmem:s3], [sflag:$0x1] =	stream.linear.gather [hbm4b:s6+s3], $0x4000, $0x38;
	[tilespmem:$0x10700] =	vst v63  }
0x10: {  	s16 =	simm.s32 $0x4000  }
0x11: {  	[tilespmem:s16], [sflag:$0x1] =	stream.linear.gather [hbm4b:s7+s3], $0x4000, $0x38;
	[tilespmem:$0x10700] =	vst v63  }
0x12: {  	_ = 	snop  }
0x13: {  	[tilespmem:s12], [sflag:$0x3] =	stream.linear.gather [hbm4b:s8+s3], $0x200, $0x38;
	[tilespmem:$0x10700] =	vst v63  }
0x14: {  	_ =	swait.ge [sflag:s13], $0x200  }
0x15: {  	[sflag:s13] =	ssyncset.done $0x0  }
0x16: {  	[sflag:s13] =	ssyncadd.s32 $0xFFFFFE00  }
0x17: {  	s21 =	rddreg [dreg:$0x2]  }
0x18: {  	[tilespmem:s14], [sflag:$0x3] =	stream.linear.gather [hbm4b:s21+s3], $0x100, $0x38;
	[tilespmem:$0x10700] =	vst v63  }
0x19: {  	_ =	swait.ge [sflag:s13], $0x100  }
0x1a: {  	[sflag:s13] =	ssyncset.done $0x0  }
0x1b: {  	s22 =	simm.s32 $0x8000;
	[sflag:s13] =	ssyncadd.s32 $0xFFFFFF00  }
0x1c: {  	[tilespmem:s22], [sflag:$0x2] =	stream.indirect.gather [hbm4b:s5+s15], $0x20, s12, s15, $0xb8;
	[tilespmem:$0x10700] =	vst v63  }
0x1d: {  	s23 =	simm.s32 $0x10080;
	s17 =	simm.s32 $0x9000  }
0x1e: {  	[tilespmem:s17], [sflag:$0x2] =	stream.indirect.gather [hbm4b:s5+s15], $0x20, s23, s15, $0xb8;
	[tilespmem:$0x10700] =	vst v63  }
0x1f: {  	s18 =	simm.s32 $0x10100;
	s19 =	simm.s32 $0xA000  }
0x20: {  	[tilespmem:s19], [sflag:$0x2] =	stream.indirect.gather [hbm4b:s5+s15], $0x20, s18, s15, $0xb8;
	[tilespmem:$0x10700] =	vst v63  }
0x21: {  	s20 =	simm.s32 $0x10180;
	s21 =	simm.s32 $0xB000  }
0x22: {  	[tilespmem:s21], [sflag:$0x2] =	stream.indirect.gather [hbm4b:s5+s15], $0x20, s20, s15, $0xb8;
	[tilespmem:$0x10700] =	vst v63  }
0x23: {  	v1 =	vld [tilespmem:$0x10000];
	_ =	sdelay $0x5  }
0x24: {  	v2 =	vld [tilespmem:$0x10010];
	_ =	sdelay $0x1  }
0x25: {  	v1 =	vld.idx.msk [tilespmem:v1+s14+$0x0], $0xffff;
	_ =	sdelay $0x3  }
0x26: {  	v3 =	vld [tilespmem:$0x10020]  }
0x27: {  	[tilespmem:$0x10200] =	vst v1  }
0x28: {  	v1 =	vld.idx.msk [tilespmem:v2+s14+$0x0], $0xffff;
	_ =	sdelay $0x3  }
0x29: {  	v2 =	vld [tilespmem:$0x10030]  }
0x2a: {  	[tilespmem:$0x10210] =	vst v1  }
0x2b: {  	v1 =	vld.idx.msk [tilespmem:v3+s14+$0x0], $0xffff;
	_ =	sdelay $0x3  }
0x2c: {  	v3 =	vld [tilespmem:$0x10040]  }
0x2d: {  	[tilespmem:$0x10220] =	vst v1  }
0x2e: {  	v1 =	vld.idx.msk [tilespmem:v2+s14+$0x0], $0xffff;
	_ =	sdelay $0x3  }
0x2f: {  	v2 =	vld [tilespmem:$0x10050]  }
0x30: {  	[tilespmem:$0x10230] =	vst v1  }
0x31: {  	v1 =	vld.idx.msk [tilespmem:v3+s14+$0x0], $0xffff;
	_ =	sdelay $0x3  }
0x32: {  	v3 =	vld [tilespmem:$0x10060]  }
0x33: {  	[tilespmem:$0x10240] =	vst v1  }
0x34: {  	v1 =	vld.idx.msk [tilespmem:v2+s14+$0x0], $0xffff;
	_ =	sdelay $0x3  }
0x35: {  	v2 =	vld [tilespmem:$0x10070]  }
0x36: {  	[tilespmem:$0x10250] =	vst v1  }
0x37: {  	v1 =	vld.idx.msk [tilespmem:v3+s14+$0x0], $0xffff;
	_ =	sdelay $0x3  }
0x38: {  	v3 =	vld [tilespmem:$0x10080]  }
0x39: {  	[tilespmem:$0x10260] =	vst v1  }
0x3a: {  	v1 =	vld.idx.msk [tilespmem:v2+s14+$0x0], $0xffff;
	_ =	sdelay $0x3  }
0x3b: {  	v2 =	vld [tilespmem:$0x10090]  }
0x3c: {  	[tilespmem:$0x10270] =	vst v1  }
0x3d: {  	v1 =	vld.idx.msk [tilespmem:v3+s14+$0x0], $0xffff;
	_ =	sdelay $0x3  }
0x3e: {  	v3 =	vld [tilespmem:$0x100A0]  }
0x3f: {  	[tilespmem:$0x10280] =	vst v1  }
0x40: {  	v1 =	vld.idx.msk [tilespmem:v2+s14+$0x0], $0xffff;
	_ =	sdelay $0x3  }
0x41: {  	v2 =	vld [tilespmem:$0x100B0]  }
0x42: {  	[tilespmem:$0x10290] =	vst v1  }
0x43: {  	v1 =	vld.idx.msk [tilespmem:v3+s14+$0x0], $0xffff;
	_ =	sdelay $0x3  }
0x44: {  	v3 =	vld [tilespmem:$0x100C0]  }
0x45: {  	[tilespmem:$0x102A0] =	vst v1  }
0x46: {  	v1 =	vld.idx.msk [tilespmem:v2+s14+$0x0], $0xffff;
	_ =	sdelay $0x3  }
0x47: {  	v2 =	vld [tilespmem:$0x100D0]  }
0x48: {  	[tilespmem:$0x102B0] =	vst v1  }
0x49: {  	v1 =	vld.idx.msk [tilespmem:v3+s14+$0x0], $0xffff;
	_ =	sdelay $0x3  }
0x4a: {  	v3 =	vld [tilespmem:$0x100E0]  }
0x4b: {  	[tilespmem:$0x102C0] =	vst v1  }
0x4c: {  	v1 =	vld.idx.msk [tilespmem:v2+s14+$0x0], $0xffff;
	_ =	sdelay $0x3  }
0x4d: {  	v2 =	vld [tilespmem:$0x100F0]  }
0x4e: {  	[tilespmem:$0x102D0] =	vst v1  }
0x4f: {  	v1 =	vld.idx.msk [tilespmem:v3+s14+$0x0], $0xffff;
	_ =	sdelay $0x3  }
0x50: {  	v3 =	vld [tilespmem:$0x10100]  }
0x51: {  	[tilespmem:$0x102E0] =	vst v1  }
0x52: {  	v1 =	vld.idx.msk [tilespmem:v2+s14+$0x0], $0xffff;
	_ =	sdelay $0x3  }
0x53: {  	v2 =	vld [tilespmem:$0x10110]  }
0x54: {  	[tilespmem:$0x102F0] =	vst v1  }
0x55: {  	v1 =	vld.idx.msk [tilespmem:v3+s14+$0x0], $0xffff;
	_ =	sdelay $0x3  }
0x56: {  	v3 =	vld [tilespmem:$0x10120]  }
0x57: {  	[tilespmem:$0x10300] =	vst v1  }
0x58: {  	v1 =	vld.idx.msk [tilespmem:v2+s14+$0x0], $0xffff;
	_ =	sdelay $0x3  }
0x59: {  	v2 =	vld [tilespmem:$0x10130]  }
0x5a: {  	[tilespmem:$0x10310] =	vst v1  }
0x5b: {  	v1 =	vld.idx.msk [tilespmem:v3+s14+$0x0], $0xffff;
	_ =	sdelay $0x3  }
0x5c: {  	v3 =	vld [tilespmem:$0x10140]  }
0x5d: {  	[tilespmem:$0x10320] =	vst v1  }
0x5e: {  	v1 =	vld.idx.msk [tilespmem:v2+s14+$0x0], $0xffff;
	_ =	sdelay $0x3  }
0x5f: {  	v2 =	vld [tilespmem:$0x10150]  }
0x60: {  	[tilespmem:$0x10330] =	vst v1  }
0x61: {  	v1 =	vld.idx.msk [tilespmem:v3+s14+$0x0], $0xffff;
	_ =	sdelay $0x3  }
0x62: {  	v3 =	vld [tilespmem:$0x10160]  }
0x63: {  	[tilespmem:$0x10340] =	vst v1  }
0x64: {  	v1 =	vld.idx.msk [tilespmem:v2+s14+$0x0], $0xffff;
	_ =	sdelay $0x3  }
0x65: {  	v2 =	vld [tilespmem:$0x10170]  }
0x66: {  	[tilespmem:$0x10350] =	vst v1  }
0x67: {  	v1 =	vld.idx.msk [tilespmem:v3+s14+$0x0], $0xffff;
	_ =	sdelay $0x3  }
0x68: {  	v3 =	vld [tilespmem:$0x10180]  }
0x69: {  	[tilespmem:$0x10360] =	vst v1  }
0x6a: {  	v1 =	vld.idx.msk [tilespmem:v2+s14+$0x0], $0xffff;
	_ =	sdelay $0x3  }
0x6b: {  	v2 =	vld [tilespmem:$0x10190]  }
0x6c: {  	[tilespmem:$0x10370] =	vst v1  }
0x6d: {  	v1 =	vld.idx.msk [tilespmem:v3+s14+$0x0], $0xffff;
	_ =	sdelay $0x3  }
0x6e: {  	v3 =	vld [tilespmem:$0x101A0]  }
0x6f: {  	[tilespmem:$0x10380] =	vst v1  }
0x70: {  	v1 =	vld.idx.msk [tilespmem:v2+s14+$0x0], $0xffff;
	_ =	sdelay $0x3  }
0x71: {  	v2 =	vld [tilespmem:$0x101B0]  }
0x72: {  	[tilespmem:$0x10390] =	vst v1  }
0x73: {  	v1 =	vld.idx.msk [tilespmem:v3+s14+$0x0], $0xffff;
	_ =	sdelay $0x3  }
0x74: {  	v3 =	vld [tilespmem:$0x101C0]  }
0x75: {  	[tilespmem:$0x103A0] =	vst v1  }
0x76: {  	v1 =	vld.idx.msk [tilespmem:v2+s14+$0x0], $0xffff;
	_ =	sdelay $0x3  }
0x77: {  	v2 =	vld [tilespmem:$0x101D0]  }
0x78: {  	[tilespmem:$0x103B0] =	vst v1  }
0x79: {  	v1 =	vld.idx.msk [tilespmem:v3+s14+$0x0], $0xffff;
	_ =	sdelay $0x3  }
0x7a: {  	v3 =	vld [tilespmem:$0x101E0]  }
0x7b: {  	[tilespmem:$0x103C0] =	vst v1  }
0x7c: {  	v1 =	vld.idx.msk [tilespmem:v2+s14+$0x0], $0xffff;
	_ =	sdelay $0x3  }
0x7d: {  	v2 =	vld [tilespmem:$0x101F0]  }
0x7e: {  	[tilespmem:$0x103D0] =	vst v1  }
0x7f: {  	v1 =	vld.idx.msk [tilespmem:v3+s14+$0x0], $0xffff;
	_ =	sdelay $0x4  }
0x80: {  	[tilespmem:$0x103E0] =	vst v1  }
0x81: {  	v1 =	vld.idx.msk [tilespmem:v2+s14+$0x0], $0xffff;
	_ =	sdelay $0x4  }
0x82: {  	s22 =	simm.s32 $0x10200;
	[tilespmem:$0x103F0] =	vst v1  }
0x83: {  	[tilespmem:s24], [sflag:$0x2] =	stream.indirect.gather [hbm4b:s4+s15], $0x20, s22, s15, $0xb8;
	[tilespmem:$0x10700] =	vst v63  }
0x84: {  	_ = 	snop  }
0x85: {  	[tilespmem:s26], [sflag:$0x2] =	stream.indirect.gather [hbm4b:s4+s15], $0x20, s25, s15, $0xb8;
	[tilespmem:$0x10700] =	vst v63  }
0x86: {  	_ = 	snop  }
0x87: {  	[tilespmem:s29], [sflag:$0x2] =	stream.indirect.gather [hbm4b:s4+s15], $0x20, s28, s15, $0xb8;
	[tilespmem:$0x10700] =	vst v63  }
0x88: {  	_ = 	snop  }
0x89: {  	[tilespmem:s31], [sflag:$0x2] =	stream.indirect.gather [hbm4b:s4+s15], $0x20, s30, s15, $0xb8;
	[tilespmem:$0x10700] =	vst v63  }
0x8a: {  	_ =	swait.ge [sflag:s1], $0x1000  }
0x8b: {  	[sflag:s1] =	ssyncset.done $0x0  }
0x8c: {  	[sflag:s1] =	ssyncadd.s32 $0xFFFFF000  }
0x8d: {  	_ =	swait.ge [sflag:s1], $0x1000  }
0x8e: {  	[sflag:s1] =	ssyncset.done $0x0  }
0x8f: {  	[sflag:s1] =	ssyncadd.s32 $0xFFFFF000  }
0x90: {  	_ =	swait.ge [sflag:s1], $0x1000  }
0x91: {  	[sflag:s1] =	ssyncset.done $0x0  }
0x92: {  	[sflag:s1] =	ssyncadd.s32 $0xFFFFF000  }
0x93: {  	_ =	swait.ge [sflag:s1], $0x1000  }
0x94: {  	[sflag:s1] =	ssyncset.done $0x0  }
0x95: {  	[sflag:s1] =	ssyncadd.s32 $0xFFFFF000  }
0x96: {  	_ =	swait.ge [sflag:s1], $0x1000  }
0x97: {  	[sflag:s1] =	ssyncset.done $0x0  }
0x98: {  	[sflag:s1] =	ssyncadd.s32 $0xFFFFF000  }
0x99: {  	_ =	swait.ge [sflag:s1], $0x1000  }
0x9a: {  	[sflag:s1] =	ssyncset.done $0x0  }
0x9b: {  	[sflag:s1] =	ssyncadd.s32 $0xFFFFF000  }
0x9c: {  	_ =	swait.ge [sflag:s1], $0x1000  }
0x9d: {  	[sflag:s1] =	ssyncset.done $0x0  }
0x9e: {  	[sflag:s1] =	ssyncadd.s32 $0xFFFFF000  }
0x9f: {  	_ =	swait.ge [sflag:s1], $0x1000  }
0xa0: {  	[sflag:s1] =	ssyncset.done $0x0  }
0xa1: {  	[sflag:s1] =	ssyncadd.s32 $0xFFFFF000  }
0xa2: {  	_ =	swait.ge [sflag:s0], $0x4000  }
0xa3: {  	[sflag:s0] =	ssyncset.done $0x0  }
0xa4: {  	s18 =	simm.s32 $0x8080;
	[sflag:s0] =	ssyncadd.s32 $0xFFFFC000  }
0xa5: {  	v1 =	vld [tilespmem:s18+$0x70]  }
0xa6: {  	s23 =	simm.s32 $0xC080;
	v2 =	vld [tilespmem:s18+$0x60]  }
0xa7: {  	v3 =	vld [tilespmem:s23+$0x60]  }
0xa8: {  	s17 =	simm.s32 $0x100;
	v4 =	vld [tilespmem:s23+$0x70]  }
0xa9: {  	v5 =	vld [tilespmem:s17+$0xC0]  }
0xaa: {  	v6 =	vld [tilespmem:s17+$0xD0]  }
0xab: {  	v7 =	vld [tilespmem:s17+$0xE0]  }
0xac: {  	v8 =	vld [tilespmem:s17+$0xF0]  }
0xad: {  	v9 =	vld [tilespmem:s23+$0xFFFFFF80]  }
0xae: {  	v10 =	vld [tilespmem:s18+$0xFFFFFFA0]  }
0xaf: {  	v11 =	vld [tilespmem:s23+$0xFFFFFFA0]  }
0xb0: {  	v12 =	vld [tilespmem:s18+$0xFFFFFFC0]  }
0xb1: {  	v13 =	vld [tilespmem:s23+$0xFFFFFFC0]  }
0xb2: {  	v14 =	vld [tilespmem:s18+$0xFFFFFFE0]  }
0xb3: {  	v15 =	vld [tilespmem:s23+$0xFFFFFFE0]  }
0xb4: {  	v16 =	vld [tilespmem:s18+$0x0]  }
0xb5: {  	v17 =	vld [tilespmem:s23+$0x0]  }
0xb6: {  	v18 =	vld [tilespmem:s18+$0x20]  }
0xb7: {  	v19 =	vld [tilespmem:s23+$0x20]  }
0xb8: {  	v20 =	vld [tilespmem:s18+$0x40]  }
0xb9: {  	v21 =	vld [tilespmem:s23+$0x40]  }
0xba: {  	v23 =	vld [tilespmem:s23+$0xFFFFFF90]  }
0xbb: {  	v24 =	vld [tilespmem:s23+$0xFFFFFFD0]  }
0xbc: {  	v25 =	vld [tilespmem:s23+$0x10]  }
0xbd: {  	v33 =	vld [tilespmem:s17+$0xFFFFFF50];
	v2 =	vadd.bf16 v3, v2  }
0xbe: {  	s20 =	simm.s32 $0x2;
	v1 =	vadd.bf16 v4, v1;
	v4 =	vld [tilespmem:s18+$0xFFFFFF90]  }
0xbf: {  	v57 =	vmov s20;
	v49 =	vld [tilespmem:s17+$0xFFFFFF80];
	v22 =	vshll.u32 v2, $0x10;
	v2 =	vand.u32 $0xFFFF0000, v2  }
0xc0: {  	v3 =	vld [tilespmem:s18+$0xFFFFFF80];
	v5 =	vmul.f32 v22, v5;
	v2 =	vmul.f32 v2, v6;
	v6 =	vshll.u32 v1, $0x10  }
0xc1: {  	v51 =	vld [tilespmem:s17+$0x80];
	v18 =	vadd.bf16 v19, v18;
	v1 =	vand.u32 $0xFFFF0000, v1;
	v6 =	vmul.f32 v6, v7  }
0xc2: {  	s21 =	simm.s32 $0x3;
	v59 =	vld [tilespmem:s17+$0xFFFFFFF0];
	v1 =	vmul.f32 v1, v8;
	v5 =	vadd.f32 $0.0e+00, v5;
	v2 =	vadd.f32 $0.0e+00, v2  }
0xc3: {  	v58 =	vmov s21;
	v14 =	vadd.bf16 v15, v14;
	v8 =	vld [tilespmem:s18+$0xFFFFFFD0];
	v4 =	vadd.bf16 v23, v4  }
0xc4: {  	v15 =	vld [tilespmem:s18+$0x30];
	v31 =	vshll.u32 v18, $0x10;
	v5 =	vadd.f32 v6, v5;
	v1 =	vadd.f32 v1, v2  }
0xc5: {  	v19 =	vld [tilespmem:s18+$0x50];
	v18 =	vand.u32 $0xFFFF0000, v18;
	v3 =	vadd.bf16 v9, v3;
	v6 =	vadd.bf16 v11, v10  }
0xc6: {  	s19 =	simm.s32 $0x7;
	v22 =	vld [tilespmem:s18+$0xFFFFFFB0];
	v32 =	vshll.u32 v4, $0x10;
	v4 =	vand.u32 $0xFFFF0000, v4;
	v5 =	vadd.f32 v1, v5  }
0xc7: {  	v7 =	vld [tilespmem:s23+$0xFFFFFFB0];
	v1 =	vadd.bf16 v13, v12;
	v12 =	vshll.u32 v6, $0x10;
	v13 =	vmov s19  }
0xc8: {  	v9 =	vld [tilespmem:s17+$0xFFFFFF10];
	v6 =	vand.u32 $0xFFFF0000, v6;
	v8 =	vadd.bf16 v24, v8;
	v13 =	vshrl.u32 v13, $0x3  }
0xc9: {  	v2 =	vld [tilespmem:s18+$0xFFFFFFF0];
	v6 =	vmul.f32 v6, v33;
	v26 =	vshll.u32 v1, $0x10;
	v27 =	vand.u32 $0xFFFF0000, v1  }
0xca: {  	v1 =	vadd.bf16 v17, v16;
	v13 =	vshll.u32 v13, v0;
	v16 =	vld [tilespmem:s23+$0x30];
	v17 =	vshll.u32 v14, $0x10  }
0xcb: {  	v10 =	vld [tilespmem:s23+$0xFFFFFFF0];
	v14 =	vand.u32 $0xFFFF0000, v14;
	v50 =	vshll.u32 v8, $0x10;
	v13 =	vadd.s32 $0x7, v13  }
0xcc: {  	v11 =	vld [tilespmem:s18+$0x10];
	v28 =	vshll.u32 v1, $0x10;
	v30 =	vand.u32 $0xFFFF0000, v1;
	v1 =	vadd.bf16 v21, v20  }
0xcd: {  	v36 =	vand.u32 $0xFFFF0000, v8;
	v6 =	vadd.f32 $0.0e+00, v6;
	v29 =	vbroadcast v13, $0x0;
	v20 =	vld [tilespmem:s17+$0xFFFFFF00]  }
0xce: {  	v13 =	vld [tilespmem:s23+$0x50];
	v21 =	vshll.u32 v1, $0x10;
	v23 =	vand.u32 $0xFFFF0000, v1;
	v1 =	vadd.bf16 v7, v22  }
0xcf: {  	v7 =	vld [tilespmem:s17+$0xFFFFFF40];
	v22 =	vshll.u32 v3, $0x10;
	v3 =	vand.u32 $0xFFFF0000, v3;
	v8 =	vadd.bf16 v16, v15  }
0xd0: {  	v15 =	vld [tilespmem:s17+$0xFFFFFFD0];
	v9 =	vmul.f32 v3, v9;
	v34 =	vshll.u32 v1, $0x10;
	v35 =	vand.u32 $0xFFFF0000, v1  }
0xd1: {  	v1 =	vadd.bf16 v10, v2;
	v2 =	vadd.bf16 v25, v11;
	v10 =	vld [tilespmem:s17+$0xFFFFFF90];
	v39 =	vshll.u32 v8, $0x10  }
0xd2: {  	v11 =	vld [tilespmem:s17+$0xFFFFFFC0];
	v40 =	vand.u32 $0xFFFF0000, v8;
	v8 =	vmul.f32 v22, v20;
	v22 =	vadd.f32 $0.0e+00, v9  }
0xd3: {  	v16 =	vshll.u32 v1, $0x10;
	v37 =	vand.u32 $0xFFFF0000, v1;
	v1 =	vadd.bf16 v13, v19;
	v13 =	vld [tilespmem:s17+$0x0]  }
0xd4: {  	v9 =	vmul.f32 v26, v49;
	v38 =	vshll.u32 v2, $0x10;
	v2 =	vand.u32 $0xFFFF0000, v2;
	v19 =	vld [tilespmem:s17+$0x10]  }
0xd5: {  	v7 =	vmul.f32 v12, v7;
	v12 =	vld [tilespmem:s17+$0x40];
	v20 =	vadd.f32 $0.0e+00, v8;
	v61 =	vmul.f32 v37, v59  }
0xd6: {  	v8 =	vld [tilespmem:s17+$0x50];
	v3 =	vshll.u32 v1, $0x10;
	v1 =	vand.u32 $0xFFFF0000, v1;
	v10 =	vmul.f32 v27, v10  }
0xd7: {  	v14 =	vmul.f32 v14, v15;
	v15 =	vld [tilespmem:s17+$0x90];
	v7 =	vadd.f32 $0.0e+00, v7;
	v11 =	vmul.f32 v17, v11  }
0xd8: {  	v17 =	vadd.f32 $0.0e+00, v9;
	v52 =	vadd.f32 $0.0e+00, v10;
	v9 =	vmul.f32 v28, v13;
	v10 =	vld [tilespmem:s17+$0xFFFFFF20]  }
0xd9: {  	v54 =	vadd.f32 $0.0e+00, v14;
	v53 =	vadd.f32 $0.0e+00, v11;
	v11 =	vmul.f32 v30, v19;
	v13 =	vld [tilespmem:s17+$0xFFFFFF30]  }
0xda: {  	(xrf2) =	vadd.scan.msk.f32 $0xffff, v5;
	v5 =	vld [tilespmem:s17+$0xFFFFFF60];
	v14 =	vmov s3;
	v55 =	vadd.f32 $0.0e+00, v9;
	v9 =	vmul.f32 v31, v12  }
0xdb: {  	v12 =	vshrl.u32 v14, $0x3;
	v56 =	vadd.f32 $0.0e+00, v11;
	v11 =	vmul.f32 v18, v8;
	v14 =	vld [tilespmem:s17+$0xFFFFFF70]  }
0xdc: {  	v19 =	vmul.f32 v21, v51;
	v21 =	vld [tilespmem:s17+$0xFFFFFFA0];
	v25 =	vadd.f32 v61, v54;
	v15 =	vmul.f32 v23, v15  }
0xdd: {  	s19 =	simm.s32 $0x1;
	v23 =	vld [tilespmem:s17+$0xFFFFFFB0];
	v8 =	vadd.f32 $0.0e+00, v9;
	v9 =	vadd.f32 $0.0e+00, v11;
	v11 =	vmul.f32 v32, v10  }
0xde: {  	v18 =	vmov s19;
	v13 =	vmul.f32 v4, v13;
	v10 =	vadd.f32 $0.0e+00, v19  }
0xdf: {  	v19 =	vld [tilespmem:s17+$0xFFFFFFE0];
	v20 =	vadd.f32 v11, v20;
	v11 =	vadd.f32 $0.0e+00, v15;
	v15 =	vmul.f32 v34, v5  }
0xe0: {  	v12 =	vshll.u32 v12, v0;
	v13 =	vadd.f32 v13, v22;
	v14 =	vmul.f32 v35, v14;
	v22 =	vld [tilespmem:s17+$0x20]  }
0xe1: {  	v7 =	vadd.f32 v15, v7;
	v15 =	vshrl.u32 v18, $0x3;
	v18 =	vmul.f32 v50, v21;
	v21 =	vld [tilespmem:s17+$0x30]  }
0xe2: {  	s22 =	simm.s32 $0x4;
	s23 =	simm.s32 $0x5;
	v20 =	vadd.f32 v13, v20;
	v6 =	vadd.f32 v14, v6;
	v14 =	vmul.f32 v36, v23;
	v23 =	vld [tilespmem:s17+$0x60]  }
0xe3: {  	v60 =	vld [tilespmem:s17+$0x70];
	v4 =	vmov s22;
	v5 =	vmov s23;
	v17 =	vadd.f32 v18, v17  }
0xe4: {  	v16 =	vmul.f32 v16, v19;
	v19, _, _ =	vpop (xrf2);
	v7 =	vadd.f32 v6, v7;
	v6 =	vadd.f32 v14, v52;
	v18 =	vld [tilespmem:s17+$0xA0];
	(xrf2) =	vadd.scan.msk.f32 $0xffff, v20  }
0xe5: {  	s19 =	simm.s32 $0xC180;
	v13 =	vshrl.u32 v57, $0x3;
	[tilespmem:v29+s2+$0x0] =	vst.idx.msk vm0, v19;
	v14 =	vshrl.u32 v58, $0x3;
	v19 =	vld [tilespmem:s17+$0xB0];
	v22 =	vmul.f32 v38, v22  }
0xe6: {  	s18 =	simm.s32 $0x8180;
	v20 =	vld [tilespmem:s19+$0x60];
	v62 =	vadd.f32 v16, v53;
	v6 =	vadd.f32 v6, v17;
	v63 =	vmul.f32 v2, v21  }
0xe7: {  	v16 =	vld [tilespmem:s18+$0x70];
	(xrf2) =	vadd.scan.msk.f32 $0xffff, v7;
	v2 =	vbroadcast v12, $0x0;
	v21 =	vadd.f32 v22, v55;
	v22 =	vmul.f32 v39, v23  }
0xe8: {  	s16 =	simm.s32 $0x8;
	s21 =	simm.s32 $0x10;
	s20 =	simm.s32 $0x0;
	v17 =	vld [tilespmem:s18+$0x60];
	v7 =	vadd.f32 v25, v62;
	v12 =	vmul.f32 v40, v60;
	v23 =	vadd.f32 v63, v56  }
.LBB2_2:
0xe9: {  	p0 =	slt.u32 s21, $0xF8;
	v24 =	vld [tilespmem:s19+$0x70];
	v15 =	vshll.u32 v15, v0;
	v8 =	vadd.f32 v22, v8;
	v3 =	vmul.f32 v3, v18;
	s17 =	sadd.s32 $0x200, s17  }
0xea: {  	v18 =	vld [tilespmem:s17+$0xC0];
	v21 =	vadd.f32 v23, v21;
	v9 =	vadd.f32 v12, v9;
	v1 =	vmul.f32 v1, v19;
	(xrf2) =	vadd.scan.msk.f32 $0xffff, v6  }
0xeb: {  	v13 =	vshll.u32 v13, v0;
	v12 =	vadd.s32 $0x1, v15;
	v6 =	vld [tilespmem:s17+$0xD0];
	v19 =	vadd.f32 v3, v10  }
0xec: {  	v12 =	vbroadcast v12, $0x0;
	v10 =	vld [tilespmem:s17+$0xE0];
	v8 =	vadd.f32 v9, v8;
	v1 =	vadd.f32 v1, v11  }
0xed: {  	v14 =	vshll.u32 v14, v0;
	v13 =	vadd.s32 $0x2, v13;
	v9 =	vadd.bf16 v20, v17;
	v11 =	vld [tilespmem:s17+$0xF0];
	(xrf2) =	vadd.scan.msk.f32 $0xffff, v7  }
0xee: {  	v14 =	vadd.s32 $0x3, v14;
	v7 =	vld [tilespmem:s19+$0xFFFFFF80];
	v15 =	vadd.bf16 v24, v16;
	v1 =	vadd.f32 v1, v19;
	v3, _, _ =	vpop (xrf2)  }
0xef: {  	v16 =	vld [tilespmem:s18+$0xFFFFFFA0];
	v17 =	vshll.u32 v9, $0x10;
	v9 =	vand.u32 $0xFFFF0000, v9;
	[tilespmem:v2+s2+$0x0] =	vst.idx.msk vm0, v3;
	v2 =	vbroadcast v13, $0x0  }
0xf0: {  	v3 =	vld [tilespmem:s19+$0xFFFFFFA0];
	v13 =	vmul.f32 v17, v18;
	v6 =	vmul.f32 v9, v6;
	v9 =	vshll.u32 v15, $0x10;
	(xrf2) =	vadd.scan.msk.f32 $0xffff, v21  }
0xf1: {  	v15 =	vand.u32 $0xFFFF0000, v15;
	v17 =	vld [tilespmem:s18+$0xFFFFFFC0];
	v9 =	vmul.f32 v9, v10;
	v10 =	vbroadcast v14, $0x0;
	v14, _, _ =	vpop (xrf2)  }
0xf2: {  	v18 =	vld [tilespmem:s19+$0xFFFFFFC0];
	v13 =	vadd.f32 $0.0e+00, v13;
	v6 =	vadd.f32 $0.0e+00, v6;
	v15 =	vmul.f32 v15, v11;
	[tilespmem:v12+s2+$0x0] =	vst.idx.msk vm0, v14  }
0xf3: {  	v4 =	vshrl.u32 v4, $0x3;
	v5 =	vshrl.u32 v5, $0x3;
	v12 =	vld [tilespmem:s18+$0xFFFFFFE0];
	(xrf2) =	vadd.scan.msk.f32 $0xffff, v8  }
0xf4: {  	v4 =	vshll.u32 v4, v0;
	v8 =	vld [tilespmem:s19+$0xFFFFFFE0];
	v9 =	vadd.f32 v9, v13;
	v6 =	vadd.f32 v15, v6;
	v11, _, _ =	vpop (xrf2)  }
0xf5: {  	v3 =	vadd.bf16 v3, v16;
	v13 =	vld [tilespmem:s18+$0x0];
	[tilespmem:v2+s2+$0x0] =	vst.idx.msk vm0, v11;
	v2 =	vadd.s32 $0x4, v4;
	v4 =	vshll.u32 v5, v0  }
0xf6: {  	v5 =	vld [tilespmem:s19+$0x0];
	v6 =	vadd.f32 v6, v9;
	v2 =	vbroadcast v2, $0x0;
	v4 =	vadd.s32 $0x5, v4  }
0xf7: {  	s22 =	sadd.s32 $0x6, s20;
	s20 =	smov.u32 s16;
	s16 =	smov.u32 s21;
	v9 =	vshll.u32 v3, $0x10;
	v11 =	vand.u32 $0xFFFF0000, v3;
	v3 =	vadd.bf16 v18, v17;
	v14 =	vld [tilespmem:s18+$0x20];
	v15, _, _ =	vpop (xrf2)  }
0xf8: {  	s23 =	sadd.s32 $0x7, s20;
	v4 =	vbroadcast v4, $0x0;
	v16 =	vld [tilespmem:s19+$0x20];
	(xrf2) =	vadd.scan.msk.f32 $0xffff, v6;
	[tilespmem:v10+s2+$0x0] =	vst.idx.msk vm0, v15;
	v6 =	vmov s22  }
0xf9: {  	v15 =	vmov s23;
	v10 =	vshll.u32 v3, $0x10;
	v8 =	vadd.bf16 v8, v12;
	v12 =	vld [tilespmem:s18+$0x40]  }
0xfa: {  	v17 =	vand.u32 $0xFFFF0000, v3;
	v15 =	vshrl.u32 v15, $0x3;
	v6 =	vshrl.u32 v6, $0x3;
	v3 =	vld [tilespmem:s19+$0x40];
	v18, _, _ =	vpop (xrf2)  }
0xfb: {  	v19 =	vld [tilespmem:s18+$0xFFFFFF80];
	v20 =	vshll.u32 v8, $0x10;
	v5 =	vadd.bf16 v5, v13;
	v13 =	vshll.u32 v15, v0;
	(xrf2) =	vadd.scan.msk.f32 $0xffff, v1  }
0xfc: {  	v8 =	vand.u32 $0xFFFF0000, v8;
	v1 =	vld [tilespmem:s18+$0xFFFFFF90];
	v13 =	vadd.s32 $0x7, v13;
	[tilespmem:v2+s2+$0x0] =	vst.idx.msk vm0, v18;
	v2 =	vshll.u32 v6, v0  }
0xfd: {  	v6 =	vld [tilespmem:s19+$0xFFFFFF90];
	v15 =	vshll.u32 v5, $0x10;
	v14 =	vadd.bf16 v16, v14;
	v13 =	vbroadcast v13, $0x0;
	v16, _, _ =	vpop (xrf2)  }
0xfe: {  	v5 =	vand.u32 $0xFFFF0000, v5;
	v2 =	vadd.s32 $0x6, v2;
	v18 =	vld [tilespmem:s18+$0xFFFFFFB0];
	[tilespmem:v4+s2+$0x0] =	vst.idx.msk vm0, v16  }
0xff: {  	v4 =	vld [tilespmem:s19+$0xFFFFFFB0];
	v16 =	vshll.u32 v14, $0x10;
	v14 =	vand.u32 $0xFFFF0000, v14;
	v3 =	vadd.bf16 v3, v12  }
0x100: {  	v2 =	vbroadcast v2, $0x0;
	v7 =	vadd.bf16 v7, v19;
	v12 =	vld [tilespmem:s18+$0xFFFFFFD0]  }
0x101: {  	v19 =	vld [tilespmem:s19+$0xFFFFFFD0];
	v21 =	vshll.u32 v3, $0x10;
	v22 =	vand.u32 $0xFFFF0000, v3  }
0x102: {  	v3 =	vshll.u32 v7, $0x10;
	v7 =	vand.u32 $0xFFFF0000, v7;
	v1 =	vadd.bf16 v6, v1;
	v6 =	vld [tilespmem:s18+$0xFFFFFFF0];
	v23, _, _ =	vpop (xrf2)  }
0x103: {  	v24 =	vld [tilespmem:s19+$0xFFFFFFF0];
	[tilespmem:v13+s2+$0x0] =	vst.idx.msk vm0, v23  }
0x104: {  	v13 =	vshll.u32 v1, $0x10;
	v23 =	vand.u32 $0xFFFF0000, v1;
	v1 =	vadd.bf16 v4, v18;
	v4 =	vld [tilespmem:s18+$0x10]  }
0x105: {  	v18 =	vld [tilespmem:s19+$0x10];
	v25, _, _ =	vpop (xrf2)  }
0x106: {  	v26 =	vshll.u32 v1, $0x10;
	v27 =	vand.u32 $0xFFFF0000, v1;
	v1 =	vadd.bf16 v19, v12;
	v12 =	vld [tilespmem:s18+$0x30];
	[tilespmem:v2+s2+$0x0] =	vst.idx.msk vm0, v25  }
0x107: {  	v2 =	vld [tilespmem:s19+$0x30]  }
0x108: {  	v19 =	vshll.u32 v1, $0x10;
	v25 =	vand.u32 $0xFFFF0000, v1;
	v1 =	vadd.bf16 v24, v6;
	v6 =	vld [tilespmem:s18+$0x50]  }
0x109: {  	v24 =	vld [tilespmem:s19+$0x50]  }
0x10a: {  	v28 =	vld [tilespmem:s17+$0xFFFFFF00];
	v29 =	vshll.u32 v1, $0x10;
	v30 =	vand.u32 $0xFFFF0000, v1;
	v1 =	vadd.bf16 v18, v4  }
0x10b: {  	v4 =	vld [tilespmem:s17+$0xFFFFFF10]  }
0x10c: {  	v18 =	vld [tilespmem:s17+$0xFFFFFF40];
	v31 =	vshll.u32 v1, $0x10;
	v32 =	vand.u32 $0xFFFF0000, v1;
	v1 =	vadd.bf16 v2, v12  }
0x10d: {  	v2 =	vld [tilespmem:s17+$0xFFFFFF50]  }
0x10e: {  	v33 =	vld [tilespmem:s17+$0xFFFFFF80];
	v34 =	vshll.u32 v1, $0x10;
	v12 =	vand.u32 $0xFFFF0000, v1;
	v1 =	vadd.bf16 v24, v6  }
0x10f: {  	v6 =	vmul.f32 v3, v28;
	v24 =	vld [tilespmem:s17+$0xFFFFFF90]  }
0x110: {  	v4 =	vmul.f32 v7, v4;
	v7 =	vld [tilespmem:s17+$0xFFFFFFC0];
	v3 =	vshll.u32 v1, $0x10;
	v1 =	vand.u32 $0xFFFF0000, v1  }
0x111: {  	v6 =	vadd.f32 $0.0e+00, v6;
	v9 =	vmul.f32 v9, v18;
	v18 =	vld [tilespmem:s17+$0xFFFFFFD0]  }
0x112: {  	v28 =	vadd.f32 $0.0e+00, v4;
	v2 =	vmul.f32 v11, v2;
	v4 =	vld [tilespmem:s17+$0x0]  }
0x113: {  	v35 =	vadd.f32 $0.0e+00, v9;
	v9 =	vmul.f32 v10, v33;
	v10 =	vld [tilespmem:s17+$0x10]  }
0x114: {  	v2 =	vadd.f32 $0.0e+00, v2;
	v11 =	vmul.f32 v17, v24;
	v17 =	vld [tilespmem:s17+$0x40]  }
0x115: {  	v24 =	vadd.f32 $0.0e+00, v9;
	v7 =	vmul.f32 v20, v7;
	v9 =	vld [tilespmem:s17+$0x50]  }
0x116: {  	v20 =	vadd.f32 $0.0e+00, v11;
	v8 =	vmul.f32 v8, v18;
	v11 =	vld [tilespmem:s17+$0x80]  }
0x117: {  	v7 =	vadd.f32 $0.0e+00, v7;
	v4 =	vmul.f32 v15, v4;
	v15 =	vld [tilespmem:s17+$0x90]  }
0x118: {  	v18 =	vld [tilespmem:s17+$0xFFFFFF20];
	v33 =	vadd.f32 $0.0e+00, v8;
	v5 =	vmul.f32 v5, v10  }
0x119: {  	v8 =	vmov s20;
	v36 =	vld [tilespmem:s17+$0xFFFFFF30];
	v37 =	vadd.f32 $0.0e+00, v4;
	v4 =	vmul.f32 v16, v17  }
0x11a: {  	s22 =	sadd.s32 $0x1, s20;
	v16 =	vshrl.u32 v8, $0x3;
	v17 =	vld [tilespmem:s17+$0xFFFFFF60];
	v38 =	vadd.f32 $0.0e+00, v5;
	v5 =	vmul.f32 v14, v9  }
0x11b: {  	v39 =	vmov s22;
	s22 =	sadd.s32 $0x2, s20;
	v14 =	vld [tilespmem:s17+$0xFFFFFF70];
	v8 =	vadd.f32 $0.0e+00, v4;
	v4 =	vmul.f32 v21, v11  }
0x11c: {  	v40 =	vmov s22;
	s22 =	sadd.s32 $0x3, s20;
	v21 =	vld [tilespmem:s17+$0xFFFFFFA0];
	v9 =	vadd.f32 $0.0e+00, v5;
	v5 =	vmul.f32 v22, v15  }
0x11d: {  	v22 =	vmov s22;
	s22 =	sadd.s32 $0x4, s20;
	v13 =	vmul.f32 v13, v18;
	v18 =	vld [tilespmem:s17+$0xFFFFFFB0];
	v10 =	vadd.f32 $0.0e+00, v4  }
0x11e: {  	v4 =	vmov s22;
	s22 =	sadd.s32 $0x5, s20;
	v15 =	vmul.f32 v23, v36;
	v23 =	vld [tilespmem:s17+$0xFFFFFFE0];
	v11 =	vadd.f32 $0.0e+00, v5  }
0x11f: {  	v5 =	vmov s22;
	v6 =	vadd.f32 v13, v6;
	v13 =	vmul.f32 v26, v17;
	v17 =	vld [tilespmem:s17+$0xFFFFFFF0]  }
0x120: {  	v26 =	vadd.f32 v15, v28;
	v28 =	vshll.u32 v16, v0;
	v14 =	vmul.f32 v27, v14;
	v16 =	vld [tilespmem:s17+$0x20]  }
0x121: {  	v15 =	vshrl.u32 v39, $0x3;
	v27 =	vadd.f32 v13, v35;
	v13 =	vmul.f32 v19, v21;
	v21 =	vld [tilespmem:s17+$0x30]  }
0x122: {  	v6 =	vadd.f32 v26, v6;
	v2 =	vadd.f32 v14, v2;
	v14 =	vmul.f32 v25, v18;
	v25 =	vld [tilespmem:s17+$0x60]  }
0x123: {  	v24 =	vadd.f32 v13, v24;
	v13 =	vshrl.u32 v40, $0x3;
	v19 =	vmul.f32 v29, v23;
	v26 =	vld [tilespmem:s17+$0x70]  }
.Ltmp0:
0x124: {  	v23 =	vadd.f32 v2, v27;
	v2 =	vadd.f32 v14, v20;
	v17 =	vmul.f32 v30, v17;
	v18 =	vld [tilespmem:s17+$0xA0];
	(xrf2) =	vadd.scan.msk.f32 $0xffff, v6;
	(pc) =	sbr.rel @p0 .LBB2_2-.Ltmp0, $4  }
0x125: {  	s18 =	sadd.s32 $0x100, s18;
	v14 =	vshrl.u32 v22, $0x3;
	v7 =	vadd.f32 v19, v7;
	v20 =	vmul.f32 v31, v16;
	v19 =	vld [tilespmem:s17+$0xB0]  }
0x126: {  	v16 =	vld [tilespmem:s18+$0x70];
	v6 =	vadd.f32 v2, v24;
	v24 =	vadd.f32 v17, v33;
	v27 =	vmul.f32 v32, v21  }
0x127: {  	s19 =	sadd.s32 $0x100, s19;
	v2 =	vbroadcast v28, $0x0;
	v17 =	vld [tilespmem:s18+$0x60];
	v21 =	vadd.f32 v20, v37;
	v22 =	vmul.f32 v34, v25;
	(xrf2) =	vadd.scan.msk.f32 $0xffff, v23  }
0x128: {  	s21 =	sadd.s32 $0x8, s21;
	v20 =	vld [tilespmem:s19+$0x60];
	v7 =	vadd.f32 v24, v7;
	v23 =	vadd.f32 v27, v38;
	v12 =	vmul.f32 v12, v26  }
0x129: {  	v24 =	vld [tilespmem:s19+$0x70]  }
0x12a: {  	v29 =	vld [tilespmem:s19+$0xFFFFFF80]  }
0x12b: {  	v30 =	vld [tilespmem:s18+$0xFFFFFFA0]  }
0x12c: {  	v31 =	vld [tilespmem:s19+$0xFFFFFFA0]  }
0x12d: {  	v32 =	vld [tilespmem:s18+$0xFFFFFFC0]  }
0x12e: {  	v33 =	vld [tilespmem:s19+$0xFFFFFFC0]  }
0x12f: {  	v34 =	vld [tilespmem:s18+$0xFFFFFFE0]  }
0x130: {  	v35 =	vld [tilespmem:s19+$0xFFFFFFE0]  }
0x131: {  	v36 =	vld [tilespmem:s18+$0x0]  }
0x132: {  	v37 =	vld [tilespmem:s19+$0x0]  }
0x133: {  	v38 =	vld [tilespmem:s18+$0x20]  }
0x134: {  	v39 =	vld [tilespmem:s19+$0x20]  }
0x135: {  	v40 =	vld [tilespmem:s18+$0x40]  }
0x136: {  	v41 =	vld [tilespmem:s19+$0x40]  }
0x137: {  	v42 =	vld [tilespmem:s18+$0xFFFFFF80]  }
0x138: {  	v8 =	vadd.f32 v22, v8;
	v22 =	vld [tilespmem:s18+$0xFFFFFF90]  }
0x139: {  	v46 =	vld [tilespmem:s18+$0x10]  }
0x13a: {  	v47 =	vld [tilespmem:s19+$0x10]  }
0x13b: {  	v15 =	vshll.u32 v15, v0;
	v18 =	vmul.f32 v3, v18;
	v13 =	vshll.u32 v13, v0;
	v48 =	vld [tilespmem:s18+$0x50]  }
0x13c: {  	s17 =	sadd.s32 $0x200, s17;
	v4 =	vshrl.u32 v4, $0x3;
	v5 =	vshrl.u32 v5, $0x3;
	v50 =	vld [tilespmem:s19+$0x50];
	v9 =	vadd.f32 v12, v9  }
0x13d: {  	s23 =	sadd.s32 $0x6, s20;
	v25 =	vld [tilespmem:s17+$0xC0];
	v3 =	vadd.f32 v23, v21;
	v1 =	vmul.f32 v1, v19;
	v12 =	vadd.s32 $0x1, v15  }
0x13e: {  	v26 =	vld [tilespmem:s17+$0xD0];
	v4 =	vshll.u32 v4, v0;
	v5 =	vshll.u32 v5, v0;
	v51 =	vmov s23  }
0x13f: {  	v27 =	vld [tilespmem:s17+$0xE0];
	v18 =	vadd.f32 v18, v10;
	v10 =	vbroadcast v12, $0x0;
	v12 =	vshll.u32 v14, v0  }
0x140: {  	v15 =	vld [tilespmem:s19+$0xFFFFFF90];
	v4 =	vadd.s32 $0x4, v4;
	v8 =	vadd.f32 v9, v8;
	v1 =	vadd.f32 v1, v11  }
0x141: {  	v28 =	vld [tilespmem:s17+$0xF0];
	v11 =	vadd.s32 $0x2, v13;
	v9 =	vadd.bf16 v20, v17;
	v13 =	vadd.bf16 v24, v16  }
0x142: {  	v19 =	vld [tilespmem:s18+$0xFFFFFFB0];
	v12 =	vadd.s32 $0x3, v12;
	v34 =	vadd.bf16 v35, v34;
	v53 =	vadd.bf16 v37, v36  }
0x143: {  	v61 =	vld [tilespmem:s17+$0xFFFFFFD0];
	v12 =	vbroadcast v12, $0x0;
	v38 =	vadd.bf16 v39, v38;
	v57 =	vadd.bf16 v41, v40  }
0x144: {  	v62 =	vld [tilespmem:s17+$0x0];
	v29 =	vadd.bf16 v29, v42;
	v14 =	vshll.u32 v9, $0x10;
	v9 =	vand.u32 $0xFFFF0000, v9  }
0x145: {  	v63 =	vld [tilespmem:s17+$0x10];
	v15 =	vadd.bf16 v15, v22;
	v14 =	vmul.f32 v14, v25;
	v21 =	vmul.f32 v9, v26  }
0x146: {  	v17 =	vld [tilespmem:s19+$0xFFFFFFB0];
	v23 =	vshll.u32 v13, $0x10;
	v9 =	vadd.f32 v1, v18;
	v1 =	vand.u32 $0xFFFF0000, v13  }
0x147: {  	v20 =	vld [tilespmem:s19+$0xFFFFFFD0];
	v59 =	vshll.u32 v34, $0x10;
	v34 =	vand.u32 $0xFFFF0000, v34;
	v60 =	vshll.u32 v53, $0x10  }
0x148: {  	v16 =	vld [tilespmem:s18+$0xFFFFFFD0];
	v25 =	vadd.bf16 v47, v46;
	v35 =	vand.u32 $0xFFFF0000, v53;
	v46 =	vshll.u32 v38, $0x10  }
0x149: {  	v45 =	vld [tilespmem:s18+$0xFFFFFFF0];
	v38 =	vand.u32 $0xFFFF0000, v38;
	v37 =	vand.u32 $0xFFFF0000, v57;
	v13 =	vmul.f32 v23, v27  }
0x14a: {  	v56 =	vld [tilespmem:s17+$0xFFFFFF40];
	v1 =	vmul.f32 v1, v28;
	v27 =	vadd.bf16 v50, v48;
	v26 =	vmul.f32 v34, v61  }
0x14b: {  	v18 =	vld [tilespmem:s19+$0xFFFFFFF0];
	v24 =	vmul.f32 v60, v62;
	v35 =	vmul.f32 v35, v63;
	v23 =	vadd.f32 $0.0e+00, v14  }
0x14c: {  	v47 =	vld [tilespmem:s17+$0x50];
	v21 =	vadd.f32 $0.0e+00, v21;
	v14 =	vbroadcast v11, $0x0;
	v17 =	vadd.bf16 v17, v19  }
0x14d: {  	v58 =	vld [tilespmem:s17+$0xFFFFFF50];
	v16 =	vadd.bf16 v20, v16;
	v63 =	vshll.u32 v27, $0x10;
	v26 =	vadd.f32 $0.0e+00, v26  }
0x14e: {  	v50 =	vld [tilespmem:s17+$0x90];
	v27 =	vand.u32 $0xFFFF0000, v27;
	v24 =	vadd.f32 $0.0e+00, v24;
	v11 =	vadd.f32 v13, v23  }
0x14f: {  	v1 =	vadd.f32 v1, v21;
	v21 =	vadd.bf16 v31, v30;
	v23 =	vld [tilespmem:s19+$0x30];
	s19 =	sadd.s32 $0x7, s16;
	v31 =	vshrl.u32 v51, $0x3  }
0x150: {  	v35 =	vadd.f32 $0.0e+00, v35;
	v55 =	vmov s19;
	v31 =	vshll.u32 v31, v0  }
0x151: {  	v18 =	vadd.bf16 v18, v45;
	v38 =	vmul.f32 v38, v47;
	v11 =	vadd.f32 v1, v11  }
0x152: {  	v22 =	vld [tilespmem:s17+$0xFFFFFF80];
	v1 =	vbroadcast v4, $0x0;
	v4 =	vadd.s32 $0x5, v5;
	v49 =	vshll.u32 v21, $0x10  }
0x153: {  	v20 =	vld [tilespmem:s17+$0xFFFFFFC0];
	v21 =	vand.u32 $0xFFFF0000, v21;
	v37 =	vmul.f32 v37, v50;
	v4 =	vbroadcast v4, $0x0  }
0x154: {  	v13 =	vld [tilespmem:s18+$0x30];
	v5 =	vadd.bf16 v33, v32;
	v28 =	vmul.f32 v49, v56;
	v21 =	vmul.f32 v21, v58  }
0x155: {  	v48 =	vld [tilespmem:s17+$0x80];
	v49 =	vshll.u32 v57, $0x10;
	v57 =	vshll.u32 v18, $0x10;
	v18 =	vand.u32 $0xFFFF0000, v18  }
0x156: {  	v19 =	vld [tilespmem:s17+$0xFFFFFF90];
	v58 =	vshll.u32 v25, $0x10;
	v25 =	vand.u32 $0xFFFF0000, v25;
	v38 =	vadd.f32 $0.0e+00, v38  }
0x157: {  	v44 =	vld [tilespmem:s17+$0xFFFFFFB0];
	v33 =	vshll.u32 v5, $0x10;
	v43 =	vand.u32 $0xFFFF0000, v5;
	v5 =	vshrl.u32 v55, $0x3  }
0x158: {  	v52 =	vld [tilespmem:s17+$0xFFFFFF00];
	v20 =	vmul.f32 v59, v20;
	v55 =	vshll.u32 v16, $0x10;
	v16 =	vand.u32 $0xFFFF0000, v16  }
0x159: {  	v54 =	vld [tilespmem:s17+$0xFFFFFF10];
	v37 =	vadd.f32 $0.0e+00, v37;
	v5 =	vshll.u32 v5, v0;
	v23 =	vadd.bf16 v23, v13  }
0x15a: {  	(xrf2) =	vadd.scan.msk.f32 $0xffff, v6;
	v45 =	vld [tilespmem:s17+$0x40];
	v13 =	vshll.u32 v29, $0x10;
	v29 =	vand.u32 $0xFFFF0000, v29;
	v22 =	vmul.f32 v33, v22  }
0x15b: {  	s20 =	sadd.s32 $0x1, s16;
	(xrf2) =	vadd.scan.msk.f32 $0xffff, v7;
	v19 =	vmul.f32 v43, v19;
	v33 =	vmul.f32 v49, v48;
	v7 =	vadd.f32 $0.0e+00, v28  }
0x15c: {  	v51 =	vld [tilespmem:s17+$0xFFFFFF20];
	v21 =	vadd.f32 $0.0e+00, v21;
	v16 =	vmul.f32 v16, v44;
	v49 =	vmov s20  }
0x15d: {  	v53 =	vld [tilespmem:s17+$0xFFFFFF30];
	v5 =	vadd.s32 $0x7, v5;
	v32 =	vmul.f32 v13, v52;
	v13 =	vadd.s32 $0x6, v31  }
0x15e: {  	v59 =	vld [tilespmem:s17+$0xFFFFFF70];
	v29 =	vmul.f32 v29, v54;
	v52 =	vshll.u32 v15, $0x10;
	v15 =	vand.u32 $0xFFFF0000, v15  }
0x15f: {  	v56 =	vld [tilespmem:s17+$0xFFFFFF60];
	v31 =	vmul.f32 v46, v45;
	v54 =	vshll.u32 v17, $0x10;
	v17 =	vand.u32 $0xFFFF0000, v17  }
0x160: {  	v20 =	vadd.f32 $0.0e+00, v20;
	v46 =	vmov s16;
	v5 =	vbroadcast v5, $0x0  }
0x161: {  	v61 =	vld [tilespmem:s17+$0xFFFFFFA0];
	v13 =	vbroadcast v13, $0x0;
	v30 =	vmul.f32 v52, v51;
	v22 =	vadd.f32 $0.0e+00, v22  }
0x162: {  	v45 =	vld [tilespmem:s17+$0xFFFFFFE0];
	v15 =	vmul.f32 v15, v53;
	v19 =	vadd.f32 $0.0e+00, v19;
	v33 =	vadd.f32 $0.0e+00, v33  }
0x163: {  	v47 =	vld [tilespmem:s17+$0xFFFFFFF0];
	v32 =	vadd.f32 $0.0e+00, v32;
	v29 =	vadd.f32 $0.0e+00, v29;
	v17 =	vmul.f32 v17, v59  }
0x164: {  	v50 =	vld [tilespmem:s17+$0x30];
	v62 =	vmul.f32 v54, v56;
	v31 =	vadd.f32 $0.0e+00, v31;
	v16 =	vadd.f32 v16, v19  }
0x165: {  	v48 =	vld [tilespmem:s17+$0x20];
	v6 =	vshll.u32 v23, $0x10;
	v60 =	vadd.f32 v30, v32;
	v17 =	vadd.f32 v17, v21;
	v21, _, _ =	vpop (xrf2)  }
0x166: {  	v23 =	vand.u32 $0xFFFF0000, v23;
	v51 =	vld [tilespmem:s17+$0x60];
	v15 =	vadd.f32 v15, v29;
	v7 =	vadd.f32 v62, v7;
	[tilespmem:v2+s2+$0x0] =	vst.idx.msk vm0, v21;
	v2, _, _ =	vpop (xrf2)  }
0x167: {  	v52 =	vld [tilespmem:s17+$0xB0];
	v32 =	vshrl.u32 v46, $0x3;
	v30 =	vmul.f32 v55, v61;
	v40 =	vmul.f32 v57, v45;
	[tilespmem:v10+s2+$0x0] =	vst.idx.msk vm0, v2;
	v2, _, _ =	vpop (xrf2)  }
0x168: {  	(xrf2) =	vadd.scan.msk.f32 $0xffff, v3;
	v3 =	vshll.u32 v32, v0;
	v7 =	vadd.f32 v17, v7;
	v17 =	vld [tilespmem:s17+$0x70];
	[tilespmem:v14+s2+$0x0] =	vst.idx.msk vm0, v2;
	v2, _, _ =	vpop (xrf2)  }
0x169: {  	s21 =	sadd.s32 $0x2, s16;
	v19 =	vld [tilespmem:s17+$0xA0];
	v29 =	vshrl.u32 v49, $0x3;
	v15 =	vadd.f32 v15, v60;
	[tilespmem:v12+s2+$0x0] =	vst.idx.msk vm0, v2;
	v2 =	vmul.f32 v18, v47  }
0x16a: {  	v22 =	vadd.f32 v30, v22;
	v21 =	vmov s21;
	v18 =	vmul.f32 v58, v48  }
0x16b: {  	(xrf2) =	vadd.scan.msk.f32 $0xffff, v8;
	v8 =	vadd.f32 v40, v20;
	v20 =	vmul.f32 v25, v50;
	v2 =	vadd.f32 v2, v26  }
0x16c: {  	v6 =	vmul.f32 v6, v51;
	(xrf2) =	vadd.scan.msk.f32 $0xffff, v11;
	v11 =	vadd.f32 v16, v22;
	v16 =	vadd.f32 v18, v24  }
0x16d: {  	(xrf2) =	vadd.scan.msk.f32 $0xffff, v9;
	v9 =	vmul.f32 v23, v17;
	v2 =	vadd.f32 v2, v8;
	v8 =	vadd.f32 v20, v35  }
0x16e: {  	v6 =	vadd.f32 v6, v31;
	(xrf2) =	vadd.scan.msk.f32 $0xffff, v15;
	v15 =	vmul.f32 v63, v19;
	v17 =	vmul.f32 v27, v52  }
0x16f: {  	s22 =	sadd.s32 $0x3, s16;
	v3 =	vbroadcast v3, $0x0;
	(xrf2) =	vadd.scan.msk.f32 $0xffff, v7;
	v7 =	vadd.f32 v8, v16;
	v8 =	vadd.f32 v9, v38  }
0x170: {  	v10 =	vmov s22;
	(xrf2) =	vadd.scan.msk.f32 $0xffff, v11;
	v11 =	vadd.f32 v15, v33;
	v15 =	vadd.f32 v17, v37  }
0x171: {  	v21 =	vshrl.u32 v21, $0x3;
	v10 =	vshrl.u32 v10, $0x3;
	v6 =	vadd.f32 v8, v6  }
0x172: {  	s23 =	sadd.s32 $0x4, s16;
	v9 =	vshll.u32 v29, v0;
	v8 =	vshll.u32 v10, v0;
	v10 =	vadd.f32 v15, v11  }
0x173: {  	s19 =	sadd.s32 $0x5, s16;
	v14 =	vmov s23;
	(xrf2) =	vadd.scan.msk.f32 $0xffff, v2;
	v2 =	vshll.u32 v21, v0;
	v9 =	vadd.s32 $0x1, v9  }
0x174: {  	v12 =	vmov s19;
	v2 =	vadd.s32 $0x2, v2;
	(xrf2) =	vadd.scan.msk.f32 $0xffff, v7;
	v7 =	vbroadcast v9, $0x0  }
0x175: {  	s20 =	sadd.s32 $0x6, s16;
	v2 =	vbroadcast v2, $0x0;
	v9 =	vshrl.u32 v14, $0x3;
	v8 =	vadd.s32 $0x3, v8;
	(xrf2) =	vadd.scan.msk.f32 $0xffff, v6;
	v6, _, _ =	vpop (xrf2)  }
0x176: {  	(xrf2) =	vadd.scan.msk.f32 $0xffff, v10;
	v10, _, _ =	vpop (xrf2);
	[tilespmem:v1+s2+$0x0] =	vst.idx.msk vm0, v6;
	v6 =	vshll.u32 v9, v0;
	v9 =	vmov s20  }
0x177: {  	v1 =	vshrl.u32 v12, $0x3;
	v11, _, _ =	vpop (xrf2);
	[tilespmem:v4+s2+$0x0] =	vst.idx.msk vm0, v10;
	v4 =	vadd.s32 $0x4, v6;
	v6 =	vshrl.u32 v9, $0x3  }
0x178: {  	v8 =	vbroadcast v8, $0x0;
	v1 =	vshll.u32 v1, v0;
	[tilespmem:v5+s2+$0x0] =	vst.idx.msk vm0, v11;
	v5 =	vshll.u32 v6, v0  }
0x179: {  	v4 =	vbroadcast v4, $0x0;
	v1 =	vadd.s32 $0x5, v1;
	v9, _, _ =	vpop (xrf2);
	v5 =	vadd.s32 $0x6, v5  }
0x17a: {  	v1 =	vbroadcast v1, $0x0;
	v6, _, _ =	vpop (xrf2);
	[tilespmem:v13+s2+$0x0] =	vst.idx.msk vm0, v9  }
0x17b: {  	v9, _, _ =	vpop (xrf2);
	[tilespmem:v3+s2+$0x0] =	vst.idx.msk vm0, v6;
	v3 =	vbroadcast v5, $0x0  }
0x17c: {  	v5, _, _ =	vpop (xrf2);
	[tilespmem:v7+s2+$0x0] =	vst.idx.msk vm0, v9  }
0x17d: {  	[tilespmem:v2+s2+$0x0] =	vst.idx.msk vm0, v5;
	v2, _, _ =	vpop (xrf2)  }
0x17e: {  	[tilespmem:v8+s2+$0x0] =	vst.idx.msk vm0, v2;
	v2, _, _ =	vpop (xrf2)  }
0x17f: {  	[tilespmem:v4+s2+$0x0] =	vst.idx.msk vm0, v2;
	v2, _, _ =	vpop (xrf2)  }
0x180: {  	[tilespmem:v1+s2+$0x0] =	vst.idx.msk vm0, v2;
	v1, _, _ =	vpop (xrf2)  }
0x181: {  	[tilespmem:v3+s2+$0x0] =	vst.idx.msk vm0, v1  }
0x182: {  	_ =	swait.ge [sflag:s0], $0x4000  }
0x183: {  	[sflag:s0] =	ssyncset.done $0x0  }
0x184: {  	s21 =	simm.s32 $0xA0F0;
	[sflag:s0] =	ssyncadd.s32 $0xFFFFC000  }
0x185: {  	v1 =	vld [tilespmem:s21+$0x0]  }
0x186: {  	s22 =	simm.s32 $0xE0F0;
	v2 =	vld [tilespmem:s21+$0xFFFFFFF0]  }
0x187: {  	v3 =	vld [tilespmem:s22+$0xFFFFFFF0]  }
0x188: {  	s17 =	simm.s32 $0x41F0;
	v4 =	vld [tilespmem:s22+$0x0]  }
0x189: {  	v5 =	vld [tilespmem:s17+$0xFFFFFFD0]  }
0x18a: {  	v6 =	vld [tilespmem:s17+$0xFFFFFFE0]  }
0x18b: {  	v7 =	vld [tilespmem:s17+$0xFFFFFFF0]  }
0x18c: {  	v8 =	vld [tilespmem:s17+$0x0]  }
0x18d: {  	v9 =	vld [tilespmem:s22+$0xFFFFFF10]  }
0x18e: {  	v10 =	vld [tilespmem:s21+$0xFFFFFF30]  }
0x18f: {  	v11 =	vld [tilespmem:s22+$0xFFFFFF30]  }
0x190: {  	v12 =	vld [tilespmem:s21+$0xFFFFFF50]  }
0x191: {  	v13 =	vld [tilespmem:s22+$0xFFFFFF50]  }
0x192: {  	v14 =	vld [tilespmem:s21+$0xFFFFFF70]  }
0x193: {  	v15 =	vld [tilespmem:s22+$0xFFFFFF70]  }
0x194: {  	v16 =	vld [tilespmem:s21+$0xFFFFFF90]  }
0x195: {  	v17 =	vld [tilespmem:s22+$0xFFFFFF90]  }
0x196: {  	v18 =	vld [tilespmem:s21+$0xFFFFFFB0]  }
0x197: {  	v19 =	vld [tilespmem:s22+$0xFFFFFFB0]  }
0x198: {  	v20 =	vld [tilespmem:s21+$0xFFFFFFD0]  }
0x199: {  	v21 =	vld [tilespmem:s22+$0xFFFFFFD0]  }
0x19a: {  	v23 =	vld [tilespmem:s22+$0xFFFFFF20]  }
0x19b: {  	v53 =	vld [tilespmem:s22+$0xFFFFFF60];
	v2 =	vadd.bf16 v3, v2  }
0x19c: {  	v54 =	vld [tilespmem:s22+$0xFFFFFFA0]  }
0x19d: {  	v1 =	vadd.bf16 v4, v1;
	v4 =	vld [tilespmem:s21+$0xFFFFFF20];
	v22 =	vshll.u32 v2, $0x10  }
0x19e: {  	v61 =	vld [tilespmem:s17+$0xFFFFFE60];
	v2 =	vand.u32 $0xFFFF0000, v2;
	v5 =	vmul.f32 v22, v5  }
0x19f: {  	v3 =	vld [tilespmem:s21+$0xFFFFFF10];
	v18 =	vadd.bf16 v19, v18;
	v2 =	vmul.f32 v2, v6;
	v6 =	vshll.u32 v1, $0x10  }
0x1a0: {  	v63 =	vld [tilespmem:s17+$0xFFFFFE90];
	v1 =	vand.u32 $0xFFFF0000, v1;
	v6 =	vmul.f32 v6, v7;
	v5 =	vadd.f32 $0.0e+00, v5  }
0x1a1: {  	v14 =	vadd.bf16 v15, v14;
	v1 =	vmul.f32 v1, v8;
	v8 =	vld [tilespmem:s21+$0xFFFFFF60];
	v2 =	vadd.f32 $0.0e+00, v2  }
0x1a2: {  	v15 =	vld [tilespmem:s21+$0xFFFFFFC0];
	v59 =	vshll.u32 v18, $0x10;
	v4 =	vadd.bf16 v23, v4;
	v5 =	vadd.f32 v6, v5  }
0x1a3: {  	v19 =	vld [tilespmem:s21+$0xFFFFFFE0];
	v18 =	vand.u32 $0xFFFF0000, v18;
	v1 =	vadd.f32 v1, v2;
	v6 =	vadd.bf16 v11, v10  }
0x1a4: {  	v22 =	vld [tilespmem:s21+$0xFFFFFF40];
	v3 =	vadd.bf16 v9, v3;
	v60 =	vshll.u32 v4, $0x10;
	v4 =	vand.u32 $0xFFFF0000, v4  }
0x1a5: {  	s23 =	simm.s32 $0x107;
	v7 =	vld [tilespmem:s22+$0xFFFFFF40];
	v5 =	vadd.f32 v1, v5;
	v1 =	vadd.bf16 v13, v12;
	v12 =	vshll.u32 v6, $0x10  }
0x1a6: {  	v9 =	vld [tilespmem:s17+$0xFFFFFE20];
	v6 =	vand.u32 $0xFFFF0000, v6;
	v13 =	vmov s23;
	v8 =	vadd.bf16 v53, v8  }
0x1a7: {  	v2 =	vld [tilespmem:s21+$0xFFFFFF80];
	v13 =	vshrl.u32 v13, $0x3;
	v6 =	vmul.f32 v6, v61;
	v55 =	vshll.u32 v1, $0x10  }
0x1a8: {  	v10 =	vld [tilespmem:s22+$0xFFFFFF80];
	v56 =	vand.u32 $0xFFFF0000, v1;
	v1 =	vadd.bf16 v17, v16;
	v13 =	vshll.u32 v13, v0  }
0x1a9: {  	v16 =	vld [tilespmem:s22+$0xFFFFFFC0];
	v17 =	vshll.u32 v14, $0x10;
	v14 =	vand.u32 $0xFFFF0000, v14;
	v13 =	vadd.s32 $0x7, v13  }
0x1aa: {  	v11 =	vld [tilespmem:s21+$0xFFFFFFA0];
	v57 =	vshll.u32 v1, $0x10;
	v58 =	vand.u32 $0xFFFF0000, v1;
	v1 =	vadd.bf16 v21, v20  }
0x1ab: {  	v45 =	vshll.u32 v8, $0x10;
	v46 =	vand.u32 $0xFFFF0000, v8;
	v29 =	vbroadcast v13, $0x0;
	v20 =	vld [tilespmem:s17+$0xFFFFFE10]  }
0x1ac: {  	v13 =	vld [tilespmem:s22+$0xFFFFFFE0];
	v21 =	vshll.u32 v1, $0x10;
	v23 =	vand.u32 $0xFFFF0000, v1;
	v1 =	vadd.bf16 v7, v22  }
0x1ad: {  	v6 =	vadd.f32 $0.0e+00, v6;
	v7 =	vld [tilespmem:s17+$0xFFFFFE50];
	v22 =	vshll.u32 v3, $0x10;
	v3 =	vand.u32 $0xFFFF0000, v3  }
0x1ae: {  	v8 =	vadd.bf16 v16, v15;
	v15 =	vld [tilespmem:s17+$0xFFFFFEE0];
	v9 =	vmul.f32 v3, v9;
	v62 =	vshll.u32 v1, $0x10  }
0x1af: {  	v44 =	vand.u32 $0xFFFF0000, v1;
	v1 =	vadd.bf16 v10, v2;
	v2 =	vadd.bf16 v54, v11;
	v10 =	vld [tilespmem:s17+$0xFFFFFEA0]  }
0x1b0: {  	v11 =	vld [tilespmem:s17+$0xFFFFFED0];
	v49 =	vshll.u32 v8, $0x10;
	v50 =	vand.u32 $0xFFFF0000, v8;
	v8 =	vmul.f32 v22, v20  }
0x1b1: {  	v51 =	vld [tilespmem:s17+$0xFFFFFF90];
	v22 =	vadd.f32 $0.0e+00, v9;
	v9 =	vmul.f32 v55, v63;
	v16 =	vshll.u32 v1, $0x10  }
0x1b2: {  	v47 =	vand.u32 $0xFFFF0000, v1;
	v48 =	vshll.u32 v2, $0x10;
	v1 =	vadd.bf16 v13, v19;
	v13 =	vld [tilespmem:s17+$0xFFFFFF10]  }
0x1b3: {  	v2 =	vand.u32 $0xFFFF0000, v2;
	v19 =	vld [tilespmem:s17+$0xFFFFFF20];
	v7 =	vmul.f32 v12, v7;
	v20 =	vadd.f32 $0.0e+00, v8  }
0x1b4: {  	v12 =	vld [tilespmem:s17+$0xFFFFFF50];
	v3 =	vshll.u32 v1, $0x10;
	v1 =	vand.u32 $0xFFFF0000, v1;
	v14 =	vmul.f32 v14, v15  }
0x1b5: {  	s18 =	simm.s32 $0x100;
	v8 =	vld [tilespmem:s17+$0xFFFFFF60];
	v7 =	vadd.f32 $0.0e+00, v7;
	v10 =	vmul.f32 v56, v10;
	v11 =	vmul.f32 v17, v11  }
0x1b6: {  	v15 =	vld [tilespmem:s17+$0xFFFFFFA0];
	v17 =	vadd.f32 $0.0e+00, v9;
	v54 =	vadd.f32 $0.0e+00, v14;
	v14 =	vmov s18  }
0x1b7: {  	s20 =	simm.s32 $0x102;
	v52 =	vadd.f32 $0.0e+00, v10;
	v9 =	vmul.f32 v57, v13;
	v10 =	vld [tilespmem:s17+$0xFFFFFE30];
	v53 =	vadd.f32 $0.0e+00, v11  }
0x1b8: {  	s21 =	simm.s32 $0x103;
	v11 =	vmul.f32 v58, v19;
	v13 =	vld [tilespmem:s17+$0xFFFFFE40];
	v19 =	vmul.f32 v21, v51;
	v57 =	vmov s20  }
0x1b9: {  	(xrf2) =	vadd.scan.msk.f32 $0xffff, v5;
	v5 =	vld [tilespmem:s17+$0xFFFFFE70];
	v58 =	vmov s21;
	v55 =	vadd.f32 $0.0e+00, v9;
	v9 =	vmul.f32 v59, v12  }
0x1ba: {  	s19 =	simm.s32 $0x101;
	v12 =	vshrl.u32 v14, $0x3;
	v56 =	vadd.f32 $0.0e+00, v11;
	v11 =	vmul.f32 v18, v8;
	v14 =	vld [tilespmem:s17+$0xFFFFFE80]  }
0x1bb: {  	v21 =	vld [tilespmem:s17+$0xFFFFFEB0];
	v18 =	vmov s19;
	v15 =	vmul.f32 v23, v15;
	v12 =	vshll.u32 v12, v0  }
0x1bc: {  	s22 =	simm.s32 $0x104;
	v23 =	vld [tilespmem:s17+$0xFFFFFEC0];
	v8 =	vadd.f32 $0.0e+00, v9;
	v9 =	vadd.f32 $0.0e+00, v11;
	v11 =	vmul.f32 v60, v10  }
0x1bd: {  	v59 =	vld [tilespmem:s17+$0xFFFFFF00];
	v13 =	vmul.f32 v4, v13;
	v10 =	vadd.f32 $0.0e+00, v19;
	v4 =	vmov s22  }
0x1be: {  	s23 =	simm.s32 $0x105;
	v19 =	vld [tilespmem:s17+$0xFFFFFEF0];
	v20 =	vadd.f32 v11, v20;
	v11 =	vadd.f32 $0.0e+00, v15;
	v15 =	vmul.f32 v62, v5  }
0x1bf: {  	v13 =	vadd.f32 v13, v22;
	v5 =	vmov s23;
	v14 =	vmul.f32 v44, v14;
	v22 =	vld [tilespmem:s17+$0xFFFFFF30]  }
0x1c0: {  	v7 =	vadd.f32 v15, v7;
	v15 =	vshrl.u32 v18, $0x3;
	v18 =	vmul.f32 v45, v21;
	v21 =	vld [tilespmem:s17+$0xFFFFFF40]  }
0x1c1: {  	v20 =	vadd.f32 v13, v20;
	v6 =	vadd.f32 v14, v6;
	v14 =	vmul.f32 v46, v23;
	v23 =	vld [tilespmem:s17+$0xFFFFFF70]  }
0x1c2: {  	v60 =	vld [tilespmem:s17+$0xFFFFFF80];
	v61 =	vmul.f32 v47, v59;
	v13 =	vshrl.u32 v57, $0x3;
	v17 =	vadd.f32 v18, v17  }
0x1c3: {  	v16 =	vmul.f32 v16, v19;
	v19, _, _ =	vpop (xrf2);
	v7 =	vadd.f32 v6, v7;
	v6 =	vadd.f32 v14, v52;
	v18 =	vld [tilespmem:s17+$0xFFFFFFB0];
	(xrf2) =	vadd.scan.msk.f32 $0xffff, v20  }
0x1c4: {  	s20 =	simm.s32 $0xE1F0;
	v25 =	vadd.f32 v61, v54;
	[tilespmem:v29+s2+$0x0] =	vst.idx.msk vm0, v19;
	v14 =	vshrl.u32 v58, $0x3;
	v19 =	vld [tilespmem:s17+$0xFFFFFFC0];
	v22 =	vmul.f32 v48, v22  }
0x1c5: {  	s19 =	simm.s32 $0xA1F0;
	v20 =	vld [tilespmem:s20+$0xFFFFFFF0];
	v62 =	vadd.f32 v16, v53;
	v6 =	vadd.f32 v6, v17;
	v63 =	vmul.f32 v2, v21  }
0x1c6: {  	v16 =	vld [tilespmem:s19+$0x0];
	(xrf2) =	vadd.scan.msk.f32 $0xffff, v7;
	v2 =	vbroadcast v12, $0x0;
	v21 =	vadd.f32 v22, v55;
	v22 =	vmul.f32 v49, v23  }
0x1c7: {  	s16 =	simm.s32 $0x108;
	s21 =	simm.s32 $0x110;
	v17 =	vld [tilespmem:s19+$0xFFFFFFF0];
	v7 =	vadd.f32 v25, v62;
	v12 =	vmul.f32 v50, v60;
	v23 =	vadd.f32 v63, v56  }
.LBB2_4:
0x1c8: {  	p0 =	slt.u32 s21, $0x1F8;
	v24 =	vld [tilespmem:s20+$0x0];
	v15 =	vshll.u32 v15, v0;
	v8 =	vadd.f32 v22, v8;
	v3 =	vmul.f32 v3, v18;
	s17 =	sadd.s32 $0x200, s17  }
0x1c9: {  	v18 =	vld [tilespmem:s17+$0xFFFFFFD0];
	v21 =	vadd.f32 v23, v21;
	v9 =	vadd.f32 v12, v9;
	v1 =	vmul.f32 v1, v19;
	(xrf2) =	vadd.scan.msk.f32 $0xffff, v6  }
0x1ca: {  	v13 =	vshll.u32 v13, v0;
	v12 =	vadd.s32 $0x1, v15;
	v6 =	vld [tilespmem:s17+$0xFFFFFFE0];
	v19 =	vadd.f32 v3, v10  }
0x1cb: {  	v12 =	vbroadcast v12, $0x0;
	v10 =	vld [tilespmem:s17+$0xFFFFFFF0];
	v8 =	vadd.f32 v9, v8;
	v1 =	vadd.f32 v1, v11  }
0x1cc: {  	v14 =	vshll.u32 v14, v0;
	v13 =	vadd.s32 $0x2, v13;
	v9 =	vadd.bf16 v20, v17;
	v11 =	vld [tilespmem:s17+$0x0];
	(xrf2) =	vadd.scan.msk.f32 $0xffff, v7  }
0x1cd: {  	v14 =	vadd.s32 $0x3, v14;
	v7 =	vld [tilespmem:s20+$0xFFFFFF10];
	v15 =	vadd.bf16 v24, v16;
	v1 =	vadd.f32 v1, v19;
	v3, _, _ =	vpop (xrf2)  }
0x1ce: {  	v16 =	vld [tilespmem:s19+$0xFFFFFF30];
	v17 =	vshll.u32 v9, $0x10;
	v9 =	vand.u32 $0xFFFF0000, v9;
	[tilespmem:v2+s2+$0x0] =	vst.idx.msk vm0, v3;
	v2 =	vbroadcast v13, $0x0  }
0x1cf: {  	v3 =	vld [tilespmem:s20+$0xFFFFFF30];
	v13 =	vmul.f32 v17, v18;
	v6 =	vmul.f32 v9, v6;
	v9 =	vshll.u32 v15, $0x10;
	(xrf2) =	vadd.scan.msk.f32 $0xffff, v21  }
0x1d0: {  	v15 =	vand.u32 $0xFFFF0000, v15;
	v17 =	vld [tilespmem:s19+$0xFFFFFF50];
	v9 =	vmul.f32 v9, v10;
	v10 =	vbroadcast v14, $0x0;
	v14, _, _ =	vpop (xrf2)  }
0x1d1: {  	v18 =	vld [tilespmem:s20+$0xFFFFFF50];
	v13 =	vadd.f32 $0.0e+00, v13;
	v6 =	vadd.f32 $0.0e+00, v6;
	v15 =	vmul.f32 v15, v11;
	[tilespmem:v12+s2+$0x0] =	vst.idx.msk vm0, v14  }
0x1d2: {  	v4 =	vshrl.u32 v4, $0x3;
	v5 =	vshrl.u32 v5, $0x3;
	v12 =	vld [tilespmem:s19+$0xFFFFFF70];
	(xrf2) =	vadd.scan.msk.f32 $0xffff, v8  }
0x1d3: {  	v4 =	vshll.u32 v4, v0;
	v8 =	vld [tilespmem:s20+$0xFFFFFF70];
	v9 =	vadd.f32 v9, v13;
	v6 =	vadd.f32 v15, v6;
	v11, _, _ =	vpop (xrf2)  }
0x1d4: {  	v3 =	vadd.bf16 v3, v16;
	v13 =	vld [tilespmem:s19+$0xFFFFFF90];
	[tilespmem:v2+s2+$0x0] =	vst.idx.msk vm0, v11;
	v2 =	vadd.s32 $0x4, v4;
	v4 =	vshll.u32 v5, v0  }
0x1d5: {  	v5 =	vld [tilespmem:s20+$0xFFFFFF90];
	v6 =	vadd.f32 v6, v9;
	v2 =	vbroadcast v2, $0x0;
	v4 =	vadd.s32 $0x5, v4  }
0x1d6: {  	s22 =	sadd.s32 $0x6, s18;
	s18 =	smov.u32 s16;
	s16 =	smov.u32 s21;
	v9 =	vshll.u32 v3, $0x10;
	v11 =	vand.u32 $0xFFFF0000, v3;
	v3 =	vadd.bf16 v18, v17;
	v14 =	vld [tilespmem:s19+$0xFFFFFFB0];
	v15, _, _ =	vpop (xrf2)  }
0x1d7: {  	s23 =	sadd.s32 $0x7, s18;
	v4 =	vbroadcast v4, $0x0;
	v16 =	vld [tilespmem:s20+$0xFFFFFFB0];
	(xrf2) =	vadd.scan.msk.f32 $0xffff, v6;
	[tilespmem:v10+s2+$0x0] =	vst.idx.msk vm0, v15;
	v6 =	vmov s22  }
0x1d8: {  	v15 =	vmov s23;
	v10 =	vshll.u32 v3, $0x10;
	v8 =	vadd.bf16 v8, v12;
	v12 =	vld [tilespmem:s19+$0xFFFFFFD0]  }
0x1d9: {  	v17 =	vand.u32 $0xFFFF0000, v3;
	v15 =	vshrl.u32 v15, $0x3;
	v6 =	vshrl.u32 v6, $0x3;
	v3 =	vld [tilespmem:s20+$0xFFFFFFD0];
	v18, _, _ =	vpop (xrf2)  }
0x1da: {  	v19 =	vld [tilespmem:s19+$0xFFFFFF10];
	v20 =	vshll.u32 v8, $0x10;
	v5 =	vadd.bf16 v5, v13;
	v13 =	vshll.u32 v15, v0;
	(xrf2) =	vadd.scan.msk.f32 $0xffff, v1  }
0x1db: {  	v8 =	vand.u32 $0xFFFF0000, v8;
	v1 =	vld [tilespmem:s19+$0xFFFFFF20];
	v13 =	vadd.s32 $0x7, v13;
	[tilespmem:v2+s2+$0x0] =	vst.idx.msk vm0, v18;
	v2 =	vshll.u32 v6, v0  }
0x1dc: {  	v6 =	vld [tilespmem:s20+$0xFFFFFF20];
	v15 =	vshll.u32 v5, $0x10;
	v14 =	vadd.bf16 v16, v14;
	v13 =	vbroadcast v13, $0x0;
	v16, _, _ =	vpop (xrf2)  }
0x1dd: {  	v5 =	vand.u32 $0xFFFF0000, v5;
	v2 =	vadd.s32 $0x6, v2;
	v18 =	vld [tilespmem:s19+$0xFFFFFF40];
	[tilespmem:v4+s2+$0x0] =	vst.idx.msk vm0, v16  }
0x1de: {  	v4 =	vld [tilespmem:s20+$0xFFFFFF40];
	v16 =	vshll.u32 v14, $0x10;
	v14 =	vand.u32 $0xFFFF0000, v14;
	v3 =	vadd.bf16 v3, v12  }
0x1df: {  	v2 =	vbroadcast v2, $0x0;
	v7 =	vadd.bf16 v7, v19;
	v12 =	vld [tilespmem:s19+$0xFFFFFF60]  }
0x1e0: {  	v19 =	vld [tilespmem:s20+$0xFFFFFF60];
	v21 =	vshll.u32 v3, $0x10;
	v22 =	vand.u32 $0xFFFF0000, v3  }
0x1e1: {  	v3 =	vshll.u32 v7, $0x10;
	v7 =	vand.u32 $0xFFFF0000, v7;
	v1 =	vadd.bf16 v6, v1;
	v6 =	vld [tilespmem:s19+$0xFFFFFF80];
	v23, _, _ =	vpop (xrf2)  }
0x1e2: {  	v24 =	vld [tilespmem:s20+$0xFFFFFF80];
	[tilespmem:v13+s2+$0x0] =	vst.idx.msk vm0, v23  }
0x1e3: {  	v13 =	vshll.u32 v1, $0x10;
	v23 =	vand.u32 $0xFFFF0000, v1;
	v1 =	vadd.bf16 v4, v18;
	v4 =	vld [tilespmem:s19+$0xFFFFFFA0]  }
0x1e4: {  	v18 =	vld [tilespmem:s20+$0xFFFFFFA0];
	v25, _, _ =	vpop (xrf2)  }
0x1e5: {  	v26 =	vshll.u32 v1, $0x10;
	v27 =	vand.u32 $0xFFFF0000, v1;
	v1 =	vadd.bf16 v19, v12;
	v12 =	vld [tilespmem:s19+$0xFFFFFFC0];
	[tilespmem:v2+s2+$0x0] =	vst.idx.msk vm0, v25  }
0x1e6: {  	v2 =	vld [tilespmem:s20+$0xFFFFFFC0]  }
0x1e7: {  	v19 =	vshll.u32 v1, $0x10;
	v25 =	vand.u32 $0xFFFF0000, v1;
	v1 =	vadd.bf16 v24, v6;
	v6 =	vld [tilespmem:s19+$0xFFFFFFE0]  }
0x1e8: {  	v24 =	vld [tilespmem:s20+$0xFFFFFFE0]  }
0x1e9: {  	v28 =	vld [tilespmem:s17+$0xFFFFFE10];
	v29 =	vshll.u32 v1, $0x10;
	v30 =	vand.u32 $0xFFFF0000, v1;
	v1 =	vadd.bf16 v18, v4  }
0x1ea: {  	v4 =	vld [tilespmem:s17+$0xFFFFFE20]  }
0x1eb: {  	v18 =	vld [tilespmem:s17+$0xFFFFFE50];
	v31 =	vshll.u32 v1, $0x10;
	v32 =	vand.u32 $0xFFFF0000, v1;
	v1 =	vadd.bf16 v2, v12  }
0x1ec: {  	v2 =	vld [tilespmem:s17+$0xFFFFFE60]  }
0x1ed: {  	v33 =	vld [tilespmem:s17+$0xFFFFFE90];
	v34 =	vshll.u32 v1, $0x10;
	v12 =	vand.u32 $0xFFFF0000, v1;
	v1 =	vadd.bf16 v24, v6  }
0x1ee: {  	v6 =	vmul.f32 v3, v28;
	v24 =	vld [tilespmem:s17+$0xFFFFFEA0]  }
0x1ef: {  	v4 =	vmul.f32 v7, v4;
	v7 =	vld [tilespmem:s17+$0xFFFFFED0];
	v3 =	vshll.u32 v1, $0x10;
	v1 =	vand.u32 $0xFFFF0000, v1  }
0x1f0: {  	v6 =	vadd.f32 $0.0e+00, v6;
	v9 =	vmul.f32 v9, v18;
	v18 =	vld [tilespmem:s17+$0xFFFFFEE0]  }
0x1f1: {  	v28 =	vadd.f32 $0.0e+00, v4;
	v2 =	vmul.f32 v11, v2;
	v4 =	vld [tilespmem:s17+$0xFFFFFF10]  }
0x1f2: {  	v35 =	vadd.f32 $0.0e+00, v9;
	v9 =	vmul.f32 v10, v33;
	v10 =	vld [tilespmem:s17+$0xFFFFFF20]  }
0x1f3: {  	v2 =	vadd.f32 $0.0e+00, v2;
	v11 =	vmul.f32 v17, v24;
	v17 =	vld [tilespmem:s17+$0xFFFFFF50]  }
0x1f4: {  	v24 =	vadd.f32 $0.0e+00, v9;
	v7 =	vmul.f32 v20, v7;
	v9 =	vld [tilespmem:s17+$0xFFFFFF60]  }
0x1f5: {  	v20 =	vadd.f32 $0.0e+00, v11;
	v8 =	vmul.f32 v8, v18;
	v11 =	vld [tilespmem:s17+$0xFFFFFF90]  }
0x1f6: {  	v7 =	vadd.f32 $0.0e+00, v7;
	v4 =	vmul.f32 v15, v4;
	v15 =	vld [tilespmem:s17+$0xFFFFFFA0]  }
0x1f7: {  	v18 =	vld [tilespmem:s17+$0xFFFFFE30];
	v33 =	vadd.f32 $0.0e+00, v8;
	v5 =	vmul.f32 v5, v10  }
0x1f8: {  	v8 =	vmov s18;
	v36 =	vld [tilespmem:s17+$0xFFFFFE40];
	v37 =	vadd.f32 $0.0e+00, v4;
	v4 =	vmul.f32 v16, v17  }
0x1f9: {  	s22 =	sadd.s32 $0x1, s18;
	v16 =	vshrl.u32 v8, $0x3;
	v17 =	vld [tilespmem:s17+$0xFFFFFE70];
	v38 =	vadd.f32 $0.0e+00, v5;
	v5 =	vmul.f32 v14, v9  }
0x1fa: {  	v39 =	vmov s22;
	s22 =	sadd.s32 $0x2, s18;
	v14 =	vld [tilespmem:s17+$0xFFFFFE80];
	v8 =	vadd.f32 $0.0e+00, v4;
	v4 =	vmul.f32 v21, v11  }
0x1fb: {  	v40 =	vmov s22;
	s22 =	sadd.s32 $0x3, s18;
	v21 =	vld [tilespmem:s17+$0xFFFFFEB0];
	v9 =	vadd.f32 $0.0e+00, v5;
	v5 =	vmul.f32 v22, v15  }
0x1fc: {  	v22 =	vmov s22;
	s22 =	sadd.s32 $0x4, s18;
	v13 =	vmul.f32 v13, v18;
	v18 =	vld [tilespmem:s17+$0xFFFFFEC0];
	v10 =	vadd.f32 $0.0e+00, v4  }
0x1fd: {  	v4 =	vmov s22;
	s22 =	sadd.s32 $0x5, s18;
	v15 =	vmul.f32 v23, v36;
	v23 =	vld [tilespmem:s17+$0xFFFFFEF0];
	v11 =	vadd.f32 $0.0e+00, v5  }
0x1fe: {  	v5 =	vmov s22;
	v6 =	vadd.f32 v13, v6;
	v13 =	vmul.f32 v26, v17;
	v17 =	vld [tilespmem:s17+$0xFFFFFF00]  }
0x1ff: {  	v26 =	vadd.f32 v15, v28;
	v28 =	vshll.u32 v16, v0;
	v14 =	vmul.f32 v27, v14;
	v16 =	vld [tilespmem:s17+$0xFFFFFF30]  }
0x200: {  	v15 =	vshrl.u32 v39, $0x3;
	v27 =	vadd.f32 v13, v35;
	v13 =	vmul.f32 v19, v21;
	v21 =	vld [tilespmem:s17+$0xFFFFFF40]  }
0x201: {  	v6 =	vadd.f32 v26, v6;
	v2 =	vadd.f32 v14, v2;
	v14 =	vmul.f32 v25, v18;
	v25 =	vld [tilespmem:s17+$0xFFFFFF70]  }
0x202: {  	v24 =	vadd.f32 v13, v24;
	v13 =	vshrl.u32 v40, $0x3;
	v19 =	vmul.f32 v29, v23;
	v26 =	vld [tilespmem:s17+$0xFFFFFF80]  }
.Ltmp1:
0x203: {  	v23 =	vadd.f32 v2, v27;
	v2 =	vadd.f32 v14, v20;
	v17 =	vmul.f32 v30, v17;
	v18 =	vld [tilespmem:s17+$0xFFFFFFB0];
	(xrf2) =	vadd.scan.msk.f32 $0xffff, v6;
	(pc) =	sbr.rel @p0 .LBB2_4-.Ltmp1, $4  }
0x204: {  	s19 =	sadd.s32 $0x100, s19;
	v14 =	vshrl.u32 v22, $0x3;
	v7 =	vadd.f32 v19, v7;
	v20 =	vmul.f32 v31, v16;
	v19 =	vld [tilespmem:s17+$0xFFFFFFC0]  }
0x205: {  	v16 =	vld [tilespmem:s19+$0x0];
	v6 =	vadd.f32 v2, v24;
	v24 =	vadd.f32 v17, v33;
	v27 =	vmul.f32 v32, v21  }
0x206: {  	s20 =	sadd.s32 $0x100, s20;
	v2 =	vbroadcast v28, $0x0;
	v17 =	vld [tilespmem:s19+$0xFFFFFFF0];
	v21 =	vadd.f32 v20, v37;
	v22 =	vmul.f32 v34, v25;
	(xrf2) =	vadd.scan.msk.f32 $0xffff, v23  }
0x207: {  	s21 =	sadd.s32 $0x8, s21;
	v20 =	vld [tilespmem:s20+$0xFFFFFFF0];
	v7 =	vadd.f32 v24, v7;
	v23 =	vadd.f32 v27, v38;
	v12 =	vmul.f32 v12, v26  }
0x208: {  	v24 =	vld [tilespmem:s20+$0x0]  }
0x209: {  	v29 =	vld [tilespmem:s20+$0xFFFFFF10]  }
0x20a: {  	v30 =	vld [tilespmem:s19+$0xFFFFFF30]  }
0x20b: {  	v31 =	vld [tilespmem:s20+$0xFFFFFF30]  }
0x20c: {  	v32 =	vld [tilespmem:s19+$0xFFFFFF50]  }
0x20d: {  	v33 =	vld [tilespmem:s20+$0xFFFFFF50]  }
0x20e: {  	v34 =	vld [tilespmem:s19+$0xFFFFFF70]  }
0x20f: {  	v35 =	vld [tilespmem:s20+$0xFFFFFF70]  }
0x210: {  	v36 =	vld [tilespmem:s19+$0xFFFFFF90]  }
0x211: {  	v37 =	vld [tilespmem:s20+$0xFFFFFF90]  }
0x212: {  	v38 =	vld [tilespmem:s19+$0xFFFFFFB0]  }
0x213: {  	v39 =	vld [tilespmem:s20+$0xFFFFFFB0]  }
0x214: {  	v40 =	vld [tilespmem:s19+$0xFFFFFFD0]  }
0x215: {  	v41 =	vld [tilespmem:s20+$0xFFFFFFD0]  }
0x216: {  	v15 =	vshll.u32 v15, v0;
	v42 =	vld [tilespmem:s19+$0xFFFFFF10]  }
0x217: {  	v8 =	vadd.f32 v22, v8;
	v18 =	vmul.f32 v3, v18;
	v22 =	vld [tilespmem:s19+$0xFFFFFF20];
	v13 =	vshll.u32 v13, v0  }
0x218: {  	v53 =	vshll.u32 v14, v0;
	v4 =	vshrl.u32 v4, $0x3;
	v5 =	vshrl.u32 v5, $0x3;
	v62 =	vld [tilespmem:s20+$0xFFFFFFC0]  }
0x219: {  	v63 =	vld [tilespmem:s19+$0xFFFFFFE0];
	v9 =	vadd.f32 v12, v9;
	v3 =	vadd.f32 v23, v21;
	v1 =	vmul.f32 v1, v19  }
0x21a: {  	s17 =	sadd.s32 $0x200, s17;
	s18 =	sadd.s32 $0x6, s18;
	v46 =	vld [tilespmem:s20+$0xFFFFFFE0];
	v50 =	vadd.s32 $0x1, v15;
	v52 =	vadd.s32 $0x2, v13;
	v12 =	vadd.s32 $0x3, v53  }
0x21b: {  	v25 =	vld [tilespmem:s17+$0xFFFFFFD0];
	v4 =	vshll.u32 v4, v0;
	v5 =	vshll.u32 v5, v0;
	v47 =	vmov s18  }
0x21c: {  	v26 =	vld [tilespmem:s17+$0xFFFFFFE0];
	v18 =	vadd.f32 v18, v10;
	v10 =	vbroadcast v50, $0x0;
	v8 =	vadd.f32 v9, v8  }
0x21d: {  	v15 =	vld [tilespmem:s20+$0xFFFFFF20];
	v12 =	vbroadcast v12, $0x0;
	v1 =	vadd.f32 v1, v11;
	v51 =	vadd.bf16 v20, v17  }
0x21e: {  	v13 =	vld [tilespmem:s19+$0xFFFFFFC0];
	v4 =	vadd.s32 $0x4, v4;
	v54 =	vadd.bf16 v24, v16;
	v61 =	vadd.bf16 v31, v30  }
0x21f: {  	v27 =	vld [tilespmem:s17+$0xFFFFFFF0];
	v44 =	vadd.s32 $0x5, v5;
	v45 =	vadd.bf16 v33, v32;
	v34 =	vadd.bf16 v35, v34  }
0x220: {  	v28 =	vld [tilespmem:s17+$0x0];
	v49 =	vadd.bf16 v37, v36;
	v38 =	vadd.bf16 v39, v38;
	v31 =	vshrl.u32 v47, $0x3  }
0x221: {  	s22 =	sadd.s32 $0x7, s16;
	v19 =	vld [tilespmem:s19+$0xFFFFFF40];
	v29 =	vadd.bf16 v29, v42;
	v55 =	vshll.u32 v51, $0x10;
	v9 =	vand.u32 $0xFFFF0000, v51  }
0x222: {  	v48 =	vld [tilespmem:s17+$0xFFFFFE10];
	v51 =	vmov s22;
	v15 =	vadd.bf16 v15, v22;
	v31 =	vshll.u32 v31, v0  }
0x223: {  	v50 =	vld [tilespmem:s17+$0xFFFFFE20];
	v23 =	vadd.bf16 v62, v13;
	v14 =	vmul.f32 v55, v25;
	v56 =	vmul.f32 v9, v26  }
0x224: {  	v17 =	vld [tilespmem:s20+$0xFFFFFF40];
	v57 =	vshll.u32 v54, $0x10;
	v9 =	vadd.f32 v1, v18;
	v1 =	vand.u32 $0xFFFF0000, v54  }
0x225: {  	v20 =	vld [tilespmem:s20+$0xFFFFFF60];
	v33 =	vshll.u32 v45, $0x10;
	v43 =	vand.u32 $0xFFFF0000, v45;
	v53 =	vshrl.u32 v51, $0x3  }
0x226: {  	v16 =	vld [tilespmem:s19+$0xFFFFFF60];
	v54 =	vadd.bf16 v41, v40;
	v62 =	vshll.u32 v29, $0x10;
	v29 =	vand.u32 $0xFFFF0000, v29  }
0x227: {  	v24 =	vld [tilespmem:s19+$0xFFFFFF80];
	v35 =	vand.u32 $0xFFFF0000, v49;
	v58 =	vmul.f32 v57, v27;
	v1 =	vmul.f32 v1, v28  }
0x228: {  	v47 =	vld [tilespmem:s17+$0xFFFFFF50];
	v28 =	vshll.u32 v61, $0x10;
	v5 =	vshll.u32 v53, v0;
	v27 =	vadd.bf16 v46, v63  }
0x229: {  	v18 =	vld [tilespmem:s20+$0xFFFFFF80];
	v32 =	vmul.f32 v62, v48;
	v46 =	vadd.s32 $0x6, v31;
	v29 =	vmul.f32 v29, v50  }
0x22a: {  	(xrf2) =	vadd.scan.msk.f32 $0xffff, v6;
	v25 =	vld [tilespmem:s19+$0xFFFFFFA0];
	v48 =	vshll.u32 v38, $0x10;
	v38 =	vand.u32 $0xFFFF0000, v38;
	v6 =	vshll.u32 v23, $0x10  }
0x22b: {  	v26 =	vld [tilespmem:s20+$0xFFFFFFA0];
	v23 =	vand.u32 $0xFFFF0000, v23;
	v59 =	vadd.f32 $0.0e+00, v14;
	v21 =	vadd.f32 $0.0e+00, v56  }
0x22c: {  	v55 =	vld [tilespmem:s17+$0xFFFFFE60];
	v14 =	vbroadcast v52, $0x0;
	v56 =	vshll.u32 v34, $0x10;
	v34 =	vand.u32 $0xFFFF0000, v34  }
0x22d: {  	v45 =	vld [tilespmem:s17+$0xFFFFFF20];
	v17 =	vadd.bf16 v17, v19;
	v5 =	vadd.s32 $0x7, v5;
	v13 =	vbroadcast v46, $0x0  }
0x22e: {  	v57 =	vld [tilespmem:s17+$0xFFFFFE90];
	v51 =	vshll.u32 v54, $0x10;
	v37 =	vand.u32 $0xFFFF0000, v54;
	v54 =	vshll.u32 v15, $0x10  }
0x22f: {  	v63 =	vld [tilespmem:s17+$0xFFFFFF10];
	v15 =	vand.u32 $0xFFFF0000, v15;
	v16 =	vadd.bf16 v20, v16;
	v5 =	vbroadcast v5, $0x0  }
0x230: {  	v50 =	vld [tilespmem:s17+$0xFFFFFF90];
	v31 =	vmul.f32 v48, v47;
	v32 =	vadd.f32 $0.0e+00, v32;
	v29 =	vadd.f32 $0.0e+00, v29  }
0x231: {  	v53 =	vld [tilespmem:s17+$0xFFFFFE30];
	v48 =	vmov s16;
	v60 =	vadd.f32 v58, v59;
	v1 =	vadd.f32 v1, v21  }
0x232: {  	v52 =	vld [tilespmem:s17+$0xFFFFFE50];
	v21 =	vand.u32 $0xFFFF0000, v61;
	v18 =	vadd.bf16 v18, v24;
	v25 =	vadd.bf16 v26, v25  }
0x233: {  	v46 =	vld [tilespmem:s17+$0xFFFFFEC0];
	v21 =	vmul.f32 v21, v55;
	v35 =	vmul.f32 v35, v45;
	v45 =	vshll.u32 v27, $0x10  }
0x234: {  	v58 =	vld [tilespmem:s17+$0xFFFFFEA0];
	v27 =	vand.u32 $0xFFFF0000, v27;
	v31 =	vadd.f32 $0.0e+00, v31;
	v11 =	vadd.f32 v1, v60  }
0x235: {  	v59 =	vld [tilespmem:s17+$0xFFFFFED0];
	v1 =	vbroadcast v4, $0x0;
	v4 =	vbroadcast v44, $0x0;
	v60 =	vshll.u32 v49, $0x10  }
0x236: {  	s19 =	sadd.s32 $0x2, s16;
	v61 =	vld [tilespmem:s17+$0xFFFFFEE0];
	v22 =	vmul.f32 v33, v57;
	v57 =	vshll.u32 v16, $0x10;
	v33 =	vmul.f32 v51, v50  }
0x237: {  	v16 =	vand.u32 $0xFFFF0000, v16;
	v30 =	vmul.f32 v54, v53;
	v54 =	vmov s19  }
0x238: {  	v47 =	vld [tilespmem:s17+$0xFFFFFEF0];
	v28 =	vmul.f32 v28, v52;
	v24 =	vmul.f32 v60, v63;
	v21 =	vadd.f32 $0.0e+00, v21  }
0x239: {  	v55 =	vld [tilespmem:s17+$0xFFFFFE40];
	v35 =	vadd.f32 $0.0e+00, v35;
	v16 =	vmul.f32 v16, v46;
	v62 =	vadd.f32 v30, v32  }
0x23a: {  	v49 =	vld [tilespmem:s17+$0xFFFFFF60];
	v22 =	vadd.f32 $0.0e+00, v22;
	v32 =	vshrl.u32 v48, $0x3;
	v19 =	vmul.f32 v43, v58  }
0x23b: {  	v52 =	vld [tilespmem:s17+$0xFFFFFFA0];
	v33 =	vadd.f32 $0.0e+00, v33;
	v20 =	vmul.f32 v56, v59;
	v26 =	vmul.f32 v34, v61  }
0x23c: {  	(xrf2) =	vadd.scan.msk.f32 $0xffff, v7;
	v60 =	vld [tilespmem:s17+$0xFFFFFE80];
	v56 =	vshll.u32 v17, $0x10;
	v17 =	vand.u32 $0xFFFF0000, v17;
	v59 =	vshll.u32 v18, $0x10  }
0x23d: {  	v63 =	vld [tilespmem:s17+$0xFFFFFEB0];
	v18 =	vand.u32 $0xFFFF0000, v18;
	v34 =	vshll.u32 v25, $0x10;
	v25 =	vand.u32 $0xFFFF0000, v25  }
0x23e: {  	v51, _, _ =	vpop (xrf2);
	(xrf2) =	vadd.scan.msk.f32 $0xffff, v3;
	v61 =	vadd.f32 $0.0e+00, v28;
	v3 =	vshll.u32 v32, v0;
	v15 =	vmul.f32 v15, v55  }
0x23f: {  	v53 =	vld [tilespmem:s17+$0xFFFFFF40];
	v24 =	vadd.f32 $0.0e+00, v24;
	v40 =	vmul.f32 v59, v47;
	v3 =	vbroadcast v3, $0x0  }
0x240: {  	v58 =	vld [tilespmem:s17+$0xFFFFFE70];
	v38 =	vmul.f32 v38, v49;
	v19 =	vadd.f32 $0.0e+00, v19;
	v20 =	vadd.f32 $0.0e+00, v20  }
0x241: {  	s23 =	sadd.s32 $0x1, s16;
	v55 =	vld [tilespmem:s17+$0xFFFFFF70];
	v26 =	vadd.f32 $0.0e+00, v26;
	v37 =	vmul.f32 v37, v52;
	v15 =	vadd.f32 v15, v29  }
0x242: {  	s22 =	sadd.s32 $0x5, s16;
	v59 =	vld [tilespmem:s17+$0xFFFFFFB0];
	v17 =	vmul.f32 v17, v60;
	v30 =	vmul.f32 v57, v63;
	v52 =	vmov s23  }
0x243: {  	[tilespmem:v2+s2+$0x0] =	vst.idx.msk vm0, v51;
	v2, _, _ =	vpop (xrf2);
	v49 =	vld [tilespmem:s17+$0xFFFFFF00];
	v60 =	vmov s22;
	v38 =	vadd.f32 $0.0e+00, v38;
	v16 =	vadd.f32 v16, v19  }
0x244: {  	v50 =	vld [tilespmem:s17+$0xFFFFFF30];
	[tilespmem:v10+s2+$0x0] =	vst.idx.msk vm0, v2;
	v29 =	vshrl.u32 v52, $0x3;
	v63 =	vadd.f32 v40, v20;
	v15 =	vadd.f32 v15, v62  }
0x245: {  	s21 =	sadd.s32 $0x4, s16;
	s20 =	sadd.s32 $0x3, s16;
	v2, _, _ =	vpop (xrf2);
	v57 =	vld [tilespmem:s17+$0xFFFFFF80];
	v44 =	vmul.f32 v56, v58;
	v17 =	vadd.f32 v17, v21;
	v22 =	vadd.f32 v30, v22  }
0x246: {  	[tilespmem:v14+s2+$0x0] =	vst.idx.msk vm0, v2;
	v2, _, _ =	vpop (xrf2);
	v56 =	vmov s20;
	v58 =	vmov s21;
	v62 =	vld [tilespmem:s17+$0xFFFFFFC0];
	v30 =	vmul.f32 v25, v53  }
0x247: {  	[tilespmem:v12+s2+$0x0] =	vst.idx.msk vm0, v2;
	v37 =	vadd.f32 $0.0e+00, v37;
	v6 =	vmul.f32 v6, v55;
	v41 =	vmul.f32 v45, v59  }
0x248: {  	(xrf2) =	vadd.scan.msk.f32 $0xffff, v8;
	v7 =	vadd.f32 v44, v61;
	v2 =	vmul.f32 v18, v49;
	v32 =	vadd.f32 v16, v22  }
0x249: {  	(xrf2) =	vadd.scan.msk.f32 $0xffff, v11;
	v61 =	vmul.f32 v34, v50;
	v39 =	vadd.f32 v30, v35;
	v6 =	vadd.f32 v6, v31  }
0x24a: {  	(xrf2) =	vadd.scan.msk.f32 $0xffff, v9;
	v40 =	vmul.f32 v23, v57;
	v7 =	vadd.f32 v17, v7;
	v2 =	vadd.f32 v2, v26  }
0x24b: {  	(xrf2) =	vadd.scan.msk.f32 $0xffff, v15;
	v46 =	vadd.f32 v41, v33;
	v34 =	vadd.f32 v61, v24;
	v42 =	vmul.f32 v27, v62  }
0x24c: {  	v21 =	vshrl.u32 v54, $0x3;
	v44 =	vadd.f32 v40, v38;
	v2 =	vadd.f32 v2, v63;
	(xrf2) =	vadd.scan.msk.f32 $0xffff, v7  }
0x24d: {  	v10 =	vshrl.u32 v56, $0x3;
	v43 =	vadd.f32 v39, v34;
	(xrf2) =	vadd.scan.msk.f32 $0xffff, v32;
	v47 =	vadd.f32 v42, v37  }
0x24e: {  	s23 =	sadd.s32 $0x6, s16;
	v45 =	vshll.u32 v29, v0;
	v52 =	vshrl.u32 v58, $0x3;
	v6 =	vadd.f32 v44, v6;
	(xrf2) =	vadd.scan.msk.f32 $0xffff, v2  }
0x24f: {  	v55 =	vmov s23;
	v9 =	vadd.s32 $0x1, v45;
	v49 =	vadd.f32 v47, v46;
	(xrf2) =	vadd.scan.msk.f32 $0xffff, v43  }
0x250: {  	v48 =	vshll.u32 v10, v0;
	v54 =	vshll.u32 v52, v0;
	v2 =	vshll.u32 v21, v0;
	(xrf2) =	vadd.scan.msk.f32 $0xffff, v6  }
0x251: {  	v51, _, _ =	vpop (xrf2);
	v58 =	vshrl.u32 v55, $0x3;
	v50 =	vbroadcast v9, $0x0;
	v2 =	vadd.s32 $0x2, v2;
	(xrf2) =	vadd.scan.msk.f32 $0xffff, v49  }
0x252: {  	v8 =	vadd.s32 $0x3, v48;
	v53, _, _ =	vpop (xrf2);
	[tilespmem:v1+s2+$0x0] =	vst.idx.msk vm0, v51;
	v1 =	vshrl.u32 v60, $0x3;
	v2 =	vbroadcast v2, $0x0  }
0x253: {  	v57 =	vadd.s32 $0x4, v54;
	v8 =	vbroadcast v8, $0x0;
	v56, _, _ =	vpop (xrf2);
	[tilespmem:v4+s2+$0x0] =	vst.idx.msk vm0, v53;
	v1 =	vshll.u32 v1, v0  }
0x254: {  	v60 =	vshll.u32 v58, v0;
	v4 =	vbroadcast v57, $0x0;
	v59, _, _ =	vpop (xrf2);
	[tilespmem:v5+s2+$0x0] =	vst.idx.msk vm0, v56;
	v1 =	vadd.s32 $0x5, v1  }
0x255: {  	v5 =	vadd.s32 $0x6, v60;
	[tilespmem:v13+s2+$0x0] =	vst.idx.msk vm0, v59;
	v1 =	vbroadcast v1, $0x0;
	v61, _, _ =	vpop (xrf2)  }
0x256: {  	[tilespmem:v3+s2+$0x0] =	vst.idx.msk vm0, v61;
	v3 =	vbroadcast v5, $0x0;
	v62, _, _ =	vpop (xrf2)  }
0x257: {  	v63, _, _ =	vpop (xrf2);
	[tilespmem:v50+s2+$0x0] =	vst.idx.msk vm0, v62  }
0x258: {  	[tilespmem:v2+s2+$0x0] =	vst.idx.msk vm0, v63;
	v2, _, _ =	vpop (xrf2)  }
0x259: {  	[tilespmem:v8+s2+$0x0] =	vst.idx.msk vm0, v2;
	v2, _, _ =	vpop (xrf2)  }
0x25a: {  	s11 =	sadd.s32 $0x1, s11;
	[tilespmem:v4+s2+$0x0] =	vst.idx.msk vm0, v2;
	v2, _, _ =	vpop (xrf2)  }
0x25b: {  	p0 =	sne.s32 s11, s10;
	[tilespmem:v1+s2+$0x0] =	vst.idx.msk vm0, v2;
	v1, _, _ =	vpop (xrf2)  }
.Ltmp2:
0x25c: {  	[tilespmem:v3+s2+$0x0] =	vst.idx.msk vm0, v1;
	(pc) =	sbr.rel @p0 .LBB2_1-.Ltmp2, $4  }
0x25d: {  	[hbm4b:s9+s3] =	stream.linear.scatter [tilespmem:s2], [sflag:$0x3], $0x200, $0x38;
	[tilespmem:$0x10700] =	vst v63  }
0x25e: {  	_ =	swait.ge [sflag:s13], $0x200  }
0x25f: {  	[sflag:s13] =	ssyncset.done $0x0  }
0x260: {  	[sflag:s13] =	ssyncadd.s32 $0xFFFFFE00  }
0x261: {  	_ =	sfence.sel $0x180000  }
0x262: {  	[bflag:$0x0] =	sbarrier.arrive $0xFFFF  }
0x263: {  	_ =	strace $0x90000047  }
0x264: {  	s0 =	stileid.u32;
	[bflag:$0x2] =	sbarrier.arrive $0xFFFF  }
0x265: {  	p0 =	sne.s32 s0, $0x0;
	s0 =	rddreg [dreg:$0x4]  }
0x266: {  	s0 =	sadd.s32 @!p0 $0x100000, s0  }
0x267: {  	[sflag:s0] =	ssyncadd.tile.s32 @!p0 $0x1;
	_ =	shalt  }
.Lfunc_end2:
_tile_overlayer_lowered:
.L_overlay_start_2:
0x268: {  	(tag) =	ssettag $0x2  }
0x269: {  	s0 =	rddreg [dreg:$0x0];
	s2 =	stileid.u32  }
0x26a: {  	s1 =	rddreg [dreg:$0x1];
	p0 =	sne.s32 s2, $0x0  }
0x26b: {  	s3 =	rddreg [dreg:$0x2];
	[bflag:$0x3] =	sbarrier.arrive $0xFFFF;
	s2 =	simm.s32 @!p0 $0x1C03  }
0x26c: {  	[timem:s3], [sflag:s2] =	dma.local @!p0 [hbm:s0], s1  }
0x26d: {  	s0 =	simm.s32 @!p0 $0x3  }
0x26e: {  	_ =	swait.ge @!p0 [sflag:s0], s1  }
0x26f: {  	s1 =	ssub.s32 @!p0 $0x0, s1;
	[sflag:s0] =	ssyncset.done @!p0 $0x0  }
0x270: {  	[sflag:s0] =	ssyncadd.s32 @!p0 s1  }
0x271: {  	[bflag:$0x3] =	sbarrier.arrive $0xFFFF  }
0x272: {  	_ =	shalt  }

</sc_bundles>
